<compile_context>
chip_gen: v7x
topology: tpu7x:2x2x1
jax: 0.10.2.dev20260603
libtpu: 0.0.44.dev20260713+nightly
codegen_flags: <defaults>
</compile_context>

<pallas_src>
import jax
import jax.numpy as jnp
from jax import lax
from jax.experimental import pallas as pl
from jax.experimental.pallas import tpu as pltpu
from jax.experimental.pallas import tpu_sc as plsc

N_NODES = 10000
N_EDGES = 320000
HIDDEN = 128
N_CLASSES = 10
N_GRAPHS = 128

NP = 10240
NC = 2
NS = 16
NPT = NP // NS
CHUNK = 128
CH_ALL = 160
CH_HALF = 80
NCHUNKS = NC * NS * CH_HALF
EP = NCHUNKS * CHUNK
HHALF = HIDDEN // 2


def _rsqrt16(x):
    xs = jnp.maximum(x, 1.0)
    sc = jnp.where(xs >= 65536.0, 256.0, jnp.where(xs >= 256.0, 16.0, 1.0))
    xp = xs / (sc * sc)
    s = 0.09 * xp + 1.6
    for _ in range(5):
        s = 0.5 * (s + xp / s)
    return jnp.where(x > 0.0, 1.0 / (sc * s), 0.0)


def _pipe_gather_scatter(n, joff, sidx2, didx2, src_tab, dst_tab,
                         buf_a, buf_b, ga, gb, sa, sb):

    def g(j, buf, sem):
        pltpu.async_copy(src_tab.at[sidx2.at[j]], buf, sem)

    def s(j, buf, sem):
        pltpu.async_copy(buf, dst_tab.at[didx2.at[j]], sem, add=True)

    g(joff, buf_a, ga)
    g(joff + 1, buf_b, gb)
    last = joff + n - 1

    def body(p, _):
        j0 = joff + 2 * p
        j1 = j0 + 1
        pltpu.make_async_copy(src_tab.at[sidx2.at[j0]], buf_a, ga).wait()
        s(j0, buf_a, sa)
        pltpu.make_async_copy(src_tab.at[sidx2.at[j1]], buf_b, gb).wait()
        s(j1, buf_b, sb)
        pltpu.make_async_copy(buf_a, dst_tab.at[didx2.at[j0]], sa).wait()
        g(jnp.minimum(j0 + 2, last - 1), buf_a, ga)
        pltpu.make_async_copy(buf_b, dst_tab.at[didx2.at[j1]], sb).wait()
        g(jnp.minimum(j1 + 2, last), buf_b, gb)
        return 0

    lax.fori_loop(0, n // 2, body, 0)
    pltpu.make_async_copy(src_tab.at[sidx2.at[last - 1]], buf_a, ga).wait()
    pltpu.make_async_copy(src_tab.at[sidx2.at[last]], buf_b, gb).wait()


def _sc_pre_body(src2_h, dst2_h, z1_h, araw_h, nin_h, nout_h,
                 din_s, dout_s, g_s, a_s,
                 src2, dst2, ones_v, vals_a, vals_b,
                 b0_v, b1_v, b2_v, b3_v, ga, gb, sa, sb):
    c = lax.axis_index("c")
    t = lax.axis_index("s")
    nb = t * NPT

    pltpu.sync_copy(z1_h.at[pl.ds(nb, NPT)], din_s.at[pl.ds(nb, NPT)])
    pltpu.sync_copy(z1_h.at[pl.ds(nb, NPT)], dout_s.at[pl.ds(nb, NPT)])
    pltpu.sync_copy(z1_h.at[pl.ds(nb, NPT)], a_s.at[pl.ds(nb, NPT)])
    pltpu.sync_copy(src2_h.at[pl.ds(t * CH_ALL, CH_ALL), :], src2)
    pltpu.sync_copy(dst2_h.at[pl.ds(t * CH_ALL, CH_ALL), :], dst2)
    for i in range(CHUNK // 16):
        ones_v[pl.ds(i * 16, 16)] = jnp.ones((16,), jnp.float32)
    plsc.subcore_barrier()

    def p0(j, _):
        @pl.when(j >= 8)
        def _():
            pltpu.make_async_copy(ones_v, din_s.at[dst2.at[0]], sa).wait()
            pltpu.make_async_copy(ones_v, dout_s.at[src2.at[0]], sb).wait()

        pltpu.async_copy(ones_v, din_s.at[dst2.at[j]], sa, add=True)
        pltpu.async_copy(ones_v, dout_s.at[src2.at[j]], sb, add=True)
        return 0

    lax.fori_loop(0, CH_ALL, p0, 0)
    for _ in range(8):
        pltpu.make_async_copy(ones_v, din_s.at[dst2.at[0]], sa).wait()
        pltpu.make_async_copy(ones_v, dout_s.at[src2.at[0]], sb).wait()
    plsc.subcore_barrier()

    pltpu.sync_copy(din_s.at[pl.ds(nb, NPT)], b0_v)
    pltpu.sync_copy(dout_s.at[pl.ds(nb, NPT)], b1_v)

    def p1(i, _):
        sl = pl.ds(i * 16, 16)
        di = b0_v[sl]
        do = b1_v[sl]
        rso = _rsqrt16(do)
        b2_v[sl] = di * rso
        b3_v[sl] = _rsqrt16(di)
        b0_v[sl] = rso
        return 0

    lax.fori_loop(0, NPT // 16, p1, 0)
    pltpu.sync_copy(b2_v, g_s.at[pl.ds(nb, NPT)])

    @pl.when(c == 0)
    def _():
        pltpu.sync_copy(b3_v, nin_h.at[pl.ds(nb, NPT)])
        pltpu.sync_copy(b0_v, nout_h.at[pl.ds(nb, NPT)])

    plsc.subcore_barrier()

    _pipe_gather_scatter(CH_HALF, c * CH_HALF, src2, dst2, g_s, a_s,
                         vals_a, vals_b, ga, gb, sa, sb)
    plsc.subcore_barrier()
    pltpu.sync_copy(a_s.at[pl.ds(nb, NPT)], araw_h.at[c, pl.ds(nb, NPT)])


def _sc_edge_body(src2_h, dst2_h, f2_h, z2_h, acc2_h,
                  acc_s, src2, dst2, rows_a, rows_b, ga, gb, sa, sb):
    c = lax.axis_index("c")
    t = lax.axis_index("s")
    nb = t * NPT

    pltpu.sync_copy(z2_h.at[pl.ds(nb, NPT), :], acc_s.at[pl.ds(nb, NPT), :])
    pltpu.sync_copy(src2_h.at[pl.ds(t * CH_ALL, CH_ALL), :], src2)
    pltpu.sync_copy(dst2_h.at[pl.ds(t * CH_ALL, CH_ALL), :], dst2)
    plsc.subcore_barrier()

    _pipe_gather_scatter(CH_ALL, 0, src2, dst2, f2_h.at[c], acc_s,
                         rows_a, rows_b, ga, gb, sa, sb)
    plsc.subcore_barrier()
    pltpu.sync_copy(acc_s.at[pl.ds(nb, NPT), :],
                    acc2_h.at[c, pl.ds(nb, NPT), :])


def _tc_expand_body(a0_ref, a1_ref, ni_ref, no_ref, w_ref, b_ref, f_ref):
    a = (a0_ref[...] + a1_ref[...]) * ni_ref[...]
    f = no_ref[...] * jnp.maximum(a * w_ref[...] + b_ref[...], 0.0)
    f_ref[0] = f[:, :HHALF]
    f_ref[1] = f[:, HHALF:]


def _tc_final_body(acc_ref, ni_ref, gid_ref, w2_ref, b2_ref, wc_ref, bc_ref,
                   out_ref):
    agg = jnp.concatenate([acc_ref[0], acc_ref[1]], axis=1) * ni_ref[...]
    h2 = jnp.maximum(
        jnp.dot(agg, w2_ref[...], preferred_element_type=jnp.float32)
        + b2_ref[...], 0.0)
    ids = gid_ref[...]
    garr = lax.broadcasted_iota(jnp.int32, (N_GRAPHS, NP), 0)
    sel = (garr == ids).astype(jnp.float32)
    cnt = jnp.sum(sel, axis=1, keepdims=True)
    hg = jnp.dot(sel, h2, preferred_element_type=jnp.float32)
    hg = hg / jnp.maximum(cnt, 1.0)
    out_ref[...] = (
        jnp.dot(hg, wc_ref[...], preferred_element_type=jnp.float32)
        + bc_ref[...])


_mesh = plsc.VectorSubcoreMesh(core_axis_name="c", subcore_axis_name="s")

_sc_pre = pl.kernel(
    _sc_pre_body,
    out_type=(
        jax.ShapeDtypeStruct((NC, NP), jnp.float32),
        jax.ShapeDtypeStruct((NP,), jnp.float32),
        jax.ShapeDtypeStruct((NP,), jnp.float32),
    ),
    mesh=_mesh,
    scratch_types=[
        pltpu.VMEM_SHARED((NP,), jnp.float32),
        pltpu.VMEM_SHARED((NP,), jnp.float32),
        pltpu.VMEM_SHARED((NP,), jnp.float32),
        pltpu.VMEM_SHARED((NP,), jnp.float32),
        pltpu.VMEM((CH_ALL, CHUNK), jnp.int32),
        pltpu.VMEM((CH_ALL, CHUNK), jnp.int32),
        pltpu.VMEM((CHUNK,), jnp.float32),
        pltpu.VMEM((CHUNK,), jnp.float32),
        pltpu.VMEM((CHUNK,), jnp.float32),
        pltpu.VMEM((NPT,), jnp.float32),
        pltpu.VMEM((NPT,), jnp.float32),
        pltpu.VMEM((NPT,), jnp.float32),
        pltpu.VMEM((NPT,), jnp.float32),
        pltpu.SemaphoreType.DMA,
        pltpu.SemaphoreType.DMA,
        pltpu.SemaphoreType.DMA,
        pltpu.SemaphoreType.DMA,
    ],
)

_sc_edge = pl.kernel(
    _sc_edge_body,
    out_type=jax.ShapeDtypeStruct((NC, NP, HHALF), jnp.float32),
    mesh=_mesh,
    compiler_params=pltpu.CompilerParams(use_tc_tiling_on_sc=False),
    scratch_types=[
        pltpu.VMEM_SHARED((NP, HHALF), jnp.float32),
        pltpu.VMEM((CH_ALL, CHUNK), jnp.int32),
        pltpu.VMEM((CH_ALL, CHUNK), jnp.int32),
        pltpu.VMEM((CHUNK, HHALF), jnp.float32),
        pltpu.VMEM((CHUNK, HHALF), jnp.float32),
        pltpu.SemaphoreType.DMA,
        pltpu.SemaphoreType.DMA,
        pltpu.SemaphoreType.DMA,
        pltpu.SemaphoreType.DMA,
    ],
)

_tc_expand = pl.pallas_call(
    _tc_expand_body,
    out_shape=jax.ShapeDtypeStruct((NC, NP, HHALF), jnp.float32),
)

_tc_final = pl.pallas_call(
    _tc_final_body,
    out_shape=jax.ShapeDtypeStruct((N_GRAPHS, N_CLASSES), jnp.float32),
)


@jax.jit
def kernel(edge_index, graph_ids, W1, b1, W2, b2, Wc, bc):
    pad_e = EP - N_EDGES
    spread = (jnp.arange(pad_e, dtype=jnp.int32) % (NP - N_NODES)) + N_NODES
    src2 = jnp.concatenate([edge_index[0], spread]).reshape(NCHUNKS, CHUNK)
    dst2 = jnp.concatenate([edge_index[1], spread]).reshape(NCHUNKS, CHUNK)
    gid = jnp.concatenate(
        [graph_ids.astype(jnp.int32),
         jnp.full((NP - N_NODES,), jnp.int32(N_GRAPHS + 7))]).reshape(1, NP)

    z1 = jnp.zeros((NP,), jnp.float32)
    z2 = jnp.zeros((NP, HHALF), jnp.float32)

    a_raw, nin, nout = _sc_pre(src2, dst2, z1)

    f = _tc_expand(a_raw[0].reshape(NP, 1), a_raw[1].reshape(NP, 1),
                   nin.reshape(NP, 1), nout.reshape(NP, 1),
                   W1.reshape(1, HIDDEN), b1.reshape(1, HIDDEN))

    acc = _sc_edge(src2, dst2, f, z2)

    out = _tc_final(acc, nin.reshape(NP, 1), gid, W2,
                    b2.reshape(1, HIDDEN), Wc, bc.reshape(1, N_CLASSES))
    return out

# --- scband reference (transcript-rebuilt; emitter-appended) ---
"""Pipeline reference for scband-classifier-57440892617200 (READ-ONLY COPY).

The authoritative reference and input builder live on the scoring server;
editing this copy changes nothing except your own understanding.
"""

import jax, jax.numpy as jnp
import numpy as np

N_NODES = 10000
N_EDGES = 320000
IN_DIM = 1
HIDDEN = 128
N_CLASSES = 10
N_GRAPHS = 128


def setup_inputs(seed: int = 0) -> dict:
    key = jax.random.key(seed)
    k1, k2, k3, k4, k5, k6, k7, k8 = jax.random.split(key, 8)
    edge_index = jax.random.randint(k1, (2, N_EDGES), 0, N_NODES)
    graph_ids = jnp.sort(jax.random.randint(k2, (N_NODES,), 0, N_GRAPHS))
    W1 = jax.random.normal(k3, (IN_DIM, HIDDEN), dtype=jnp.float32) * 0.1
    b1 = jax.random.normal(k4, (HIDDEN,), dtype=jnp.float32) * 0.01
    W2 = jax.random.normal(k5, (HIDDEN, HIDDEN), dtype=jnp.float32) * 0.1
    b2 = jax.random.normal(k6, (HIDDEN,), dtype=jnp.float32) * 0.01
    Wc = jax.random.normal(k7, (HIDDEN, N_CLASSES), dtype=jnp.float32) * 0.1
    bc = jax.random.normal(k8, (N_CLASSES,), dtype=jnp.float32) * 0.01
    return {"edge_index": edge_index, "graph_ids": graph_ids,
            "W1": W1, "b1": b1, "W2": W2, "b2": b2, "Wc": Wc, "bc": bc}


def _graph_conv(h, src, dst, in_deg, out_deg, W, b):
    # DGL GraphConv with norm='both': D_dst^{-1/2} A D_src^{-1/2} h W + b
    norm_src = jnp.where(out_deg > 0, out_deg ** -0.5, 0.0)[:, None]
    norm_dst = jnp.where(in_deg > 0, in_deg ** -0.5, 0.0)[:, None]
    hs = h * norm_src
    agg = jnp.zeros((h.shape[0], h.shape[1]), dtype=h.dtype).at[dst].add(hs[src])
    agg = agg * norm_dst
    return agg @ W + b


def reference(edge_index, graph_ids, W1, b1, W2, b2, Wc, bc):
    src = edge_index[0]
    dst = edge_index[1]
    in_deg = jnp.zeros((N_NODES,), dtype=jnp.float32).at[dst].add(1.0)
    out_deg = jnp.zeros((N_NODES,), dtype=jnp.float32).at[src].add(1.0)
    # h = g.in_degrees().view(-1, 1).float()
    h = in_deg[:, None]
    h = jax.nn.relu(_graph_conv(h, src, dst, in_deg, out_deg, W1, b1))
    h = jax.nn.relu(_graph_conv(h, src, dst, in_deg, out_deg, W2, b2))
    # dgl.mean_nodes over batched graphs
    counts = jnp.zeros((N_GRAPHS,), dtype=jnp.float32).at[graph_ids].add(1.0)
    hg = jax.ops.segment_sum(h, graph_ids, num_segments=N_GRAPHS)
    hg = hg / jnp.maximum(counts, 1.0)[:, None]
    # classify (dropout is identity in eval)
    return hg @ Wc + bc

if __name__ == "__main__":
    import jax
    _d = setup_inputs()
    print(jax.jit(kernel)(*tuple(_d.values())))

</pallas_src>

<mosaic_0001>
#map = affine_map<(d0, d1) -> (0, 0)>
#map1 = affine_map<(d0, d1) -> (0)>
module attributes {stable_mosaic.version = 14 : i64} {
  func.func @_sc_pre_body(%arg0: i32, %arg1: i32, %arg2: memref<2560x128xi32, #tpu.memory_space<hbm>>, %arg3: memref<2560x128xi32, #tpu.memory_space<hbm>>, %arg4: memref<10240xf32, #tpu.memory_space<hbm>>, %arg5: memref<2x10240xf32, #tpu.memory_space<hbm>>, %arg6: memref<10240xf32, #tpu.memory_space<hbm>>, %arg7: memref<10240xf32, #tpu.memory_space<hbm>>, %arg8: memref<10240xf32, #tpu.memory_space<vmem_shared>>, %arg9: memref<10240xf32, #tpu.memory_space<vmem_shared>>, %arg10: memref<10240xf32, #tpu.memory_space<vmem_shared>>, %arg11: memref<10240xf32, #tpu.memory_space<vmem_shared>>, %arg12: memref<160x128xi32, #tpu.memory_space<vmem>>, %arg13: memref<160x128xi32, #tpu.memory_space<vmem>>, %arg14: memref<128xf32, #tpu.memory_space<vmem>>, %arg15: memref<128xf32, #tpu.memory_space<vmem>>, %arg16: memref<128xf32, #tpu.memory_space<vmem>>, %arg17: memref<640xf32, #tpu.memory_space<vmem>>, %arg18: memref<640xf32, #tpu.memory_space<vmem>>, %arg19: memref<640xf32, #tpu.memory_space<vmem>>, %arg20: memref<640xf32, #tpu.memory_space<vmem>>, %arg21: memref<!tpu.dma_semaphore, #tpu.memory_space<semaphore_mem>>, %arg22: memref<!tpu.dma_semaphore, #tpu.memory_space<semaphore_mem>>, %arg23: memref<!tpu.dma_semaphore, #tpu.memory_space<semaphore_mem>>, %arg24: memref<!tpu.dma_semaphore, #tpu.memory_space<semaphore_mem>>) attributes {dimension_semantics = [#tpu.dimension_semantics<core_parallel>, #tpu.dimension_semantics<subcore_parallel>], iteration_bounds = array<i64: 2, 16>, scalar_prefetch = 0 : i64, scratch_operands = 17 : i64, tpu.core_type = #tpu.core_type<sc_vector_subcore>, window_params = [{transform_indices = #map}, {transform_indices = #map}, {transform_indices = #map1}, {transform_indices = #map}, {transform_indices = #map1}, {transform_indices = #map1}]} {
    %mul3A = arith.constant 640 : i32
    %mul3A_0 = arith.muli %arg1, %mul3A : i32
    "tpu.region"() ({
      %run_scoped3A = tpu.sem_alloc : memref<!tpu.dma_semaphore, #tpu.memory_space<semaphore_mem>>
      %dma_start3A_198 = tpu.memref_slice %arg8[%mul3A_0] : memref<10240xf32, #tpu.memory_space<vmem_shared>> -> memref<640xf32, #tpu.memory_space<vmem_shared>>
      %dma_start3A_199 = tpu.memref_slice %arg4[%mul3A_0] : memref<10240xf32, #tpu.memory_space<hbm>> -> memref<640xf32, #tpu.memory_space<hbm>>
      tpu.enqueue_dma source(%dma_start3A_199 : memref<640xf32, #tpu.memory_space<hbm>>) target(%dma_start3A_198 : memref<640xf32, #tpu.memory_space<vmem_shared>>) target_semaphore(%run_scoped3A : memref<!tpu.dma_semaphore, #tpu.memory_space<semaphore_mem>>)
      %dma_wait3A_200 = tpu.memref_slice %arg8[%mul3A_0] : memref<10240xf32, #tpu.memory_space<vmem_shared>> -> memref<640xf32, #tpu.memory_space<vmem_shared>>
      %dma_wait3A_201 = tpu.memref_slice %arg4[%mul3A_0] : memref<10240xf32, #tpu.memory_space<hbm>> -> memref<640xf32, #tpu.memory_space<hbm>>
      tpu.wait_dma2 semaphore(%run_scoped3A : memref<!tpu.dma_semaphore, #tpu.memory_space<semaphore_mem>>) src(%dma_wait3A_201 : memref<640xf32, #tpu.memory_space<hbm>>) dst(%dma_wait3A_200 : memref<640xf32, #tpu.memory_space<vmem_shared>>)
      tpu.yield
    }) : () -> ()
    "tpu.region"() ({
      %run_scoped3A = tpu.sem_alloc : memref<!tpu.dma_semaphore, #tpu.memory_space<semaphore_mem>>
      %dma_start3A_198 = tpu.memref_slice %arg9[%mul3A_0] : memref<10240xf32, #tpu.memory_space<vmem_shared>> -> memref<640xf32, #tpu.memory_space<vmem_shared>>
      %dma_start3A_199 = tpu.memref_slice %arg4[%mul3A_0] : memref<10240xf32, #tpu.memory_space<hbm>> -> memref<640xf32, #tpu.memory_space<hbm>>
      tpu.enqueue_dma source(%dma_start3A_199 : memref<640xf32, #tpu.memory_space<hbm>>) target(%dma_start3A_198 : memref<640xf32, #tpu.memory_space<vmem_shared>>) target_semaphore(%run_scoped3A : memref<!tpu.dma_semaphore, #tpu.memory_space<semaphore_mem>>)
      %dma_wait3A_200 = tpu.memref_slice %arg9[%mul3A_0] : memref<10240xf32, #tpu.memory_space<vmem_shared>> -> memref<640xf32, #tpu.memory_space<vmem_shared>>
      %dma_wait3A_201 = tpu.memref_slice %arg4[%mul3A_0] : memref<10240xf32, #tpu.memory_space<hbm>> -> memref<640xf32, #tpu.memory_space<hbm>>
      tpu.wait_dma2 semaphore(%run_scoped3A : memref<!tpu.dma_semaphore, #tpu.memory_space<semaphore_mem>>) src(%dma_wait3A_201 : memref<640xf32, #tpu.memory_space<hbm>>) dst(%dma_wait3A_200 : memref<640xf32, #tpu.memory_space<vmem_shared>>)
      tpu.yield
    }) : () -> ()
    "tpu.region"() ({
      %run_scoped3A = tpu.sem_alloc : memref<!tpu.dma_semaphore, #tpu.memory_space<semaphore_mem>>
      %dma_start3A_198 = tpu.memref_slice %arg11[%mul3A_0] : memref<10240xf32, #tpu.memory_space<vmem_shared>> -> memref<640xf32, #tpu.memory_space<vmem_shared>>
      %dma_start3A_199 = tpu.memref_slice %arg4[%mul3A_0] : memref<10240xf32, #tpu.memory_space<hbm>> -> memref<640xf32, #tpu.memory_space<hbm>>
      tpu.enqueue_dma source(%dma_start3A_199 : memref<640xf32, #tpu.memory_space<hbm>>) target(%dma_start3A_198 : memref<640xf32, #tpu.memory_space<vmem_shared>>) target_semaphore(%run_scoped3A : memref<!tpu.dma_semaphore, #tpu.memory_space<semaphore_mem>>)
      %dma_wait3A_200 = tpu.memref_slice %arg11[%mul3A_0] : memref<10240xf32, #tpu.memory_space<vmem_shared>> -> memref<640xf32, #tpu.memory_space<vmem_shared>>
      %dma_wait3A_201 = tpu.memref_slice %arg4[%mul3A_0] : memref<10240xf32, #tpu.memory_space<hbm>> -> memref<640xf32, #tpu.memory_space<hbm>>
      tpu.wait_dma2 semaphore(%run_scoped3A : memref<!tpu.dma_semaphore, #tpu.memory_space<semaphore_mem>>) src(%dma_wait3A_201 : memref<640xf32, #tpu.memory_space<hbm>>) dst(%dma_wait3A_200 : memref<640xf32, #tpu.memory_space<vmem_shared>>)
      tpu.yield
    }) : () -> ()
    %mul3A_1 = arith.constant 160 : i32
    %mul3A_2 = arith.muli %arg1, %mul3A_1 : i32
    "tpu.region"() ({
      %run_scoped3A = tpu.sem_alloc : memref<!tpu.dma_semaphore, #tpu.memory_space<semaphore_mem>>
      %dma_start3A_198 = arith.constant 0 : i32
      %dma_start3A_199 = tpu.memref_slice %arg2[%mul3A_2, %dma_start3A_198] : memref<2560x128xi32, #tpu.memory_space<hbm>> -> memref<160x128xi32, #tpu.memory_space<hbm>>
      %dma_start3A_200 = arith.constant 0 : i32
      %dma_start3A_201 = tpu.memref_slice %arg2[%mul3A_2, %dma_start3A_200] : memref<2560x128xi32, #tpu.memory_space<hbm>> -> memref<160x128xi32, #tpu.memory_space<hbm>>
      tpu.enqueue_dma source(%dma_start3A_201 : memref<160x128xi32, #tpu.memory_space<hbm>>) target(%arg12 : memref<160x128xi32, #tpu.memory_space<vmem>>) target_semaphore(%run_scoped3A : memref<!tpu.dma_semaphore, #tpu.memory_space<semaphore_mem>>)
      %dma_wait3A_202 = arith.constant 0 : i32
      %dma_wait3A_203 = tpu.memref_slice %arg2[%mul3A_2, %dma_wait3A_202] : memref<2560x128xi32, #tpu.memory_space<hbm>> -> memref<160x128xi32, #tpu.memory_space<hbm>>
      %dma_wait3A_204 = arith.constant 0 : i32
      %dma_wait3A_205 = tpu.memref_slice %arg2[%mul3A_2, %dma_wait3A_204] : memref<2560x128xi32, #tpu.memory_space<hbm>> -> memref<160x128xi32, #tpu.memory_space<hbm>>
      tpu.wait_dma2 semaphore(%run_scoped3A : memref<!tpu.dma_semaphore, #tpu.memory_space<semaphore_mem>>) src(%dma_wait3A_205 : memref<160x128xi32, #tpu.memory_space<hbm>>) dst(%arg12 : memref<160x128xi32, #tpu.memory_space<vmem>>)
      tpu.yield
    }) : () -> ()
    %mul3A_3 = arith.constant 160 : i32
    %mul3A_4 = arith.muli %arg1, %mul3A_3 : i32
    "tpu.region"() ({
      %run_scoped3A = tpu.sem_alloc : memref<!tpu.dma_semaphore, #tpu.memory_space<semaphore_mem>>
      %dma_start3A_198 = arith.constant 0 : i32
      %dma_start3A_199 = tpu.memref_slice %arg3[%mul3A_4, %dma_start3A_198] : memref<2560x128xi32, #tpu.memory_space<hbm>> -> memref<160x128xi32, #tpu.memory_space<hbm>>
      %dma_start3A_200 = arith.constant 0 : i32
      %dma_start3A_201 = tpu.memref_slice %arg3[%mul3A_4, %dma_start3A_200] : memref<2560x128xi32, #tpu.memory_space<hbm>> -> memref<160x128xi32, #tpu.memory_space<hbm>>
      tpu.enqueue_dma source(%dma_start3A_201 : memref<160x128xi32, #tpu.memory_space<hbm>>) target(%arg13 : memref<160x128xi32, #tpu.memory_space<vmem>>) target_semaphore(%run_scoped3A : memref<!tpu.dma_semaphore, #tpu.memory_space<semaphore_mem>>)
      %dma_wait3A_202 = arith.constant 0 : i32
      %dma_wait3A_203 = tpu.memref_slice %arg3[%mul3A_4, %dma_wait3A_202] : memref<2560x128xi32, #tpu.memory_space<hbm>> -> memref<160x128xi32, #tpu.memory_space<hbm>>
      %dma_wait3A_204 = arith.constant 0 : i32
      %dma_wait3A_205 = tpu.memref_slice %arg3[%mul3A_4, %dma_wait3A_204] : memref<2560x128xi32, #tpu.memory_space<hbm>> -> memref<160x128xi32, #tpu.memory_space<hbm>>
      tpu.wait_dma2 semaphore(%run_scoped3A : memref<!tpu.dma_semaphore, #tpu.memory_space<semaphore_mem>>) src(%dma_wait3A_205 : memref<160x128xi32, #tpu.memory_space<hbm>>) dst(%arg13 : memref<160x128xi32, #tpu.memory_space<vmem>>)
      tpu.yield
    }) : () -> ()
    %broadcast_in_dim3A = arith.constant 1.000000e+00 : f32
    %broadcast_in_dim3A_5 = vector.broadcast %broadcast_in_dim3A : f32 to vector<16xf32>
    %swap3A = arith.constant 0 : index
    %swap3A_6 = tpu.vector_load %arg14[%swap3A] {strides = array<i32>} : memref<128xf32, #tpu.memory_space<vmem>>, vector<16xf32>,
    %swap3A_7 = vector.shape_cast %swap3A_6 : vector<16xf32> to vector<16xf32>
    %swap3A_8 = vector.shape_cast %broadcast_in_dim3A_5 : vector<16xf32> to vector<16xf32>
    tpu.vector_store %arg14[%swap3A], %swap3A_8 {strides = array<i32>} : memref<128xf32, #tpu.memory_space<vmem>>, vector<16xf32>,
    %broadcast_in_dim3A_9 = arith.constant 1.000000e+00 : f32
    %broadcast_in_dim3A_10 = vector.broadcast %broadcast_in_dim3A_9 : f32 to vector<16xf32>
    %swap3A_11 = arith.constant 16 : index
    %swap3A_12 = tpu.vector_load %arg14[%swap3A_11] {strides = array<i32>} : memref<128xf32, #tpu.memory_space<vmem>>, vector<16xf32>,
    %swap3A_13 = vector.shape_cast %swap3A_12 : vector<16xf32> to vector<16xf32>
    %swap3A_14 = vector.shape_cast %broadcast_in_dim3A_10 : vector<16xf32> to vector<16xf32>
    tpu.vector_store %arg14[%swap3A_11], %swap3A_14 {strides = array<i32>} : memref<128xf32, #tpu.memory_space<vmem>>, vector<16xf32>,
    %broadcast_in_dim3A_15 = arith.constant 1.000000e+00 : f32
    %broadcast_in_dim3A_16 = vector.broadcast %broadcast_in_dim3A_15 : f32 to vector<16xf32>
    %swap3A_17 = arith.constant 32 : index
    %swap3A_18 = tpu.vector_load %arg14[%swap3A_17] {strides = array<i32>} : memref<128xf32, #tpu.memory_space<vmem>>, vector<16xf32>,
    %swap3A_19 = vector.shape_cast %swap3A_18 : vector<16xf32> to vector<16xf32>
    %swap3A_20 = vector.shape_cast %broadcast_in_dim3A_16 : vector<16xf32> to vector<16xf32>
    tpu.vector_store %arg14[%swap3A_17], %swap3A_20 {strides = array<i32>} : memref<128xf32, #tpu.memory_space<vmem>>, vector<16xf32>,
    %broadcast_in_dim3A_21 = arith.constant 1.000000e+00 : f32
    %broadcast_in_dim3A_22 = vector.broadcast %broadcast_in_dim3A_21 : f32 to vector<16xf32>
    %swap3A_23 = arith.constant 48 : index
    %swap3A_24 = tpu.vector_load %arg14[%swap3A_23] {strides = array<i32>} : memref<128xf32, #tpu.memory_space<vmem>>, vector<16xf32>,
    %swap3A_25 = vector.shape_cast %swap3A_24 : vector<16xf32> to vector<16xf32>
    %swap3A_26 = vector.shape_cast %broadcast_in_dim3A_22 : vector<16xf32> to vector<16xf32>
    tpu.vector_store %arg14[%swap3A_23], %swap3A_26 {strides = array<i32>} : memref<128xf32, #tpu.memory_space<vmem>>, vector<16xf32>,
    %broadcast_in_dim3A_27 = arith.constant 1.000000e+00 : f32
    %broadcast_in_dim3A_28 = vector.broadcast %broadcast_in_dim3A_27 : f32 to vector<16xf32>
    %swap3A_29 = arith.constant 64 : index
    %swap3A_30 = tpu.vector_load %arg14[%swap3A_29] {strides = array<i32>} : memref<128xf32, #tpu.memory_space<vmem>>, vector<16xf32>,
    %swap3A_31 = vector.shape_cast %swap3A_30 : vector<16xf32> to vector<16xf32>
    %swap3A_32 = vector.shape_cast %broadcast_in_dim3A_28 : vector<16xf32> to vector<16xf32>
    tpu.vector_store %arg14[%swap3A_29], %swap3A_32 {strides = array<i32>} : memref<128xf32, #tpu.memory_space<vmem>>, vector<16xf32>,
    %broadcast_in_dim3A_33 = arith.constant 1.000000e+00 : f32
    %broadcast_in_dim3A_34 = vector.broadcast %broadcast_in_dim3A_33 : f32 to vector<16xf32>
    %swap3A_35 = arith.constant 80 : index
    %swap3A_36 = tpu.vector_load %arg14[%swap3A_35] {strides = array<i32>} : memref<128xf32, #tpu.memory_space<vmem>>, vector<16xf32>,
    %swap3A_37 = vector.shape_cast %swap3A_36 : vector<16xf32> to vector<16xf32>
    %swap3A_38 = vector.shape_cast %broadcast_in_dim3A_34 : vector<16xf32> to vector<16xf32>
    tpu.vector_store %arg14[%swap3A_35], %swap3A_38 {strides = array<i32>} : memref<128xf32, #tpu.memory_space<vmem>>, vector<16xf32>,
    %broadcast_in_dim3A_39 = arith.constant 1.000000e+00 : f32
    %broadcast_in_dim3A_40 = vector.broadcast %broadcast_in_dim3A_39 : f32 to vector<16xf32>
    %swap3A_41 = arith.constant 96 : index
    %swap3A_42 = tpu.vector_load %arg14[%swap3A_41] {strides = array<i32>} : memref<128xf32, #tpu.memory_space<vmem>>, vector<16xf32>,
    %swap3A_43 = vector.shape_cast %swap3A_42 : vector<16xf32> to vector<16xf32>
    %swap3A_44 = vector.shape_cast %broadcast_in_dim3A_40 : vector<16xf32> to vector<16xf32>
    tpu.vector_store %arg14[%swap3A_41], %swap3A_44 {strides = array<i32>} : memref<128xf32, #tpu.memory_space<vmem>>, vector<16xf32>,
    %broadcast_in_dim3A_45 = arith.constant 1.000000e+00 : f32
    %broadcast_in_dim3A_46 = vector.broadcast %broadcast_in_dim3A_45 : f32 to vector<16xf32>
    %swap3A_47 = arith.constant 112 : index
    %swap3A_48 = tpu.vector_load %arg14[%swap3A_47] {strides = array<i32>} : memref<128xf32, #tpu.memory_space<vmem>>, vector<16xf32>,
    %swap3A_49 = vector.shape_cast %swap3A_48 : vector<16xf32> to vector<16xf32>
    %swap3A_50 = vector.shape_cast %broadcast_in_dim3A_46 : vector<16xf32> to vector<16xf32>
    tpu.vector_store %arg14[%swap3A_47], %swap3A_50 {strides = array<i32>} : memref<128xf32, #tpu.memory_space<vmem>>, vector<16xf32>,
    %barrier3A = arith.constant 0 : index
    tpu.barrier barrier_id(%barrier3A)
    %scan3A = arith.constant 0 : i32
    %scan3A_51 = arith.constant 0 : i32
    %scan3A_52 = arith.constant 160 : i32
    %scan3A_53 = arith.addi %scan3A_51, %scan3A_52 : i32
    %scan3A_54 = arith.constant 1 : i32
    %scan3A_55 = scf.for %scan3A_198 = %scan3A_51 to %scan3A_53 step %scan3A_54 iter_args(%scan3A_199 = %scan3A) -> (i32)  : i32 {
      %ge3A = arith.constant 8 : i32
      %ge3A_200 = arith.cmpi sge, %scan3A_198, %ge3A : i32
      %convert_element_type3A_201 = arith.extui %ge3A_200 : i1 to i32
      %cond3A_202 = arith.constant 0 : i32
      %cond3A_203 = arith.cmpi ne, %convert_element_type3A_201, %cond3A_202 : i32
      scf.if %cond3A_203 {
        %dma_wait3A_215 = arith.constant 0 : i32
        %dma_wait3A_216 = arith.constant 0 : i32
        %dma_wait3A_217 = tpu.memref_slice %arg13[%dma_wait3A_215, %dma_wait3A_216] : memref<160x128xi32, #tpu.memory_space<vmem>> -> memref<1x128xi32, #tpu.memory_space<vmem>>
        %dma_wait3A_218 = tpu.memref_squeeze %dma_wait3A_217 : memref<1x128xi32, #tpu.memory_space<vmem>> -> memref<128xi32, #tpu.memory_space<vmem>>
        %dma_wait3A_219 = arith.constant 0 : i32
        %dma_wait3A_220 = tpu.memref_slice %arg8[%dma_wait3A_219] : memref<10240xf32, #tpu.memory_space<vmem_shared>> -> memref<10240xf32, #tpu.memory_space<vmem_shared>>
        tpu.wait_indirect_dma semaphore(%arg23 : memref<!tpu.dma_semaphore, #tpu.memory_space<semaphore_mem>>) src(%arg14 : memref<128xf32, #tpu.memory_space<vmem>>) dst(%dma_wait3A_220 : memref<10240xf32, #tpu.memory_space<vmem_shared>>)
        %dma_wait3A_221 = arith.constant 0 : i32
        %dma_wait3A_222 = arith.constant 0 : i32
        %dma_wait3A_223 = tpu.memref_slice %arg12[%dma_wait3A_221, %dma_wait3A_222] : memref<160x128xi32, #tpu.memory_space<vmem>> -> memref<1x128xi32, #tpu.memory_space<vmem>>
        %dma_wait3A_224 = tpu.memref_squeeze %dma_wait3A_223 : memref<1x128xi32, #tpu.memory_space<vmem>> -> memref<128xi32, #tpu.memory_space<vmem>>
        %dma_wait3A_225 = arith.constant 0 : i32
        %dma_wait3A_226 = tpu.memref_slice %arg9[%dma_wait3A_225] : memref<10240xf32, #tpu.memory_space<vmem_shared>> -> memref<10240xf32, #tpu.memory_space<vmem_shared>>
        tpu.wait_indirect_dma semaphore(%arg24 : memref<!tpu.dma_semaphore, #tpu.memory_space<semaphore_mem>>) src(%arg14 : memref<128xf32, #tpu.memory_space<vmem>>) dst(%dma_wait3A_226 : memref<10240xf32, #tpu.memory_space<vmem_shared>>)
      } else {
      }
      %dma_start3A_204 = arith.constant 0 : i32
      %dma_start3A_205 = tpu.memref_slice %arg13[%scan3A_198, %dma_start3A_204] : memref<160x128xi32, #tpu.memory_space<vmem>> -> memref<1x128xi32, #tpu.memory_space<vmem>>
      %dma_start3A_206 = tpu.memref_squeeze %dma_start3A_205 : memref<1x128xi32, #tpu.memory_space<vmem>> -> memref<128xi32, #tpu.memory_space<vmem>>
      %dma_start3A_207 = arith.constant 0 : i32
      %dma_start3A_208 = tpu.memref_slice %arg8[%dma_start3A_207] : memref<10240xf32, #tpu.memory_space<vmem_shared>> -> memref<10240xf32, #tpu.memory_space<vmem_shared>>
      tpu.enqueue_indirect_dma source(%arg14 : memref<128xf32, #tpu.memory_space<vmem>>) target(%dma_start3A_208 : memref<10240xf32, #tpu.memory_space<vmem_shared>>) offsets(%dma_start3A_206 : memref<128xi32, #tpu.memory_space<vmem>>) semaphore(%arg23 : memref<!tpu.dma_semaphore, #tpu.memory_space<semaphore_mem>>) {add = true}
      %dma_start3A_209 = arith.constant 0 : i32
      %dma_start3A_210 = tpu.memref_slice %arg12[%scan3A_198, %dma_start3A_209] : memref<160x128xi32, #tpu.memory_space<vmem>> -> memref<1x128xi32, #tpu.memory_space<vmem>>
      %dma_start3A_211 = tpu.memref_squeeze %dma_start3A_210 : memref<1x128xi32, #tpu.memory_space<vmem>> -> memref<128xi32, #tpu.memory_space<vmem>>
      %dma_start3A_212 = arith.constant 0 : i32
      %dma_start3A_213 = tpu.memref_slice %arg9[%dma_start3A_212] : memref<10240xf32, #tpu.memory_space<vmem_shared>> -> memref<10240xf32, #tpu.memory_space<vmem_shared>>
      tpu.enqueue_indirect_dma source(%arg14 : memref<128xf32, #tpu.memory_space<vmem>>) target(%dma_start3A_213 : memref<10240xf32, #tpu.memory_space<vmem_shared>>) offsets(%dma_start3A_211 : memref<128xi32, #tpu.memory_space<vmem>>) semaphore(%arg24 : memref<!tpu.dma_semaphore, #tpu.memory_space<semaphore_mem>>) {add = true}
      %scan3A_214 = arith.constant 0 : i32
      scf.yield %scan3A_214 : i32
    }
    %scan3A_56 = arith.constant 160 : i32
    %dma_wait3A = arith.constant 0 : i32
    %dma_wait3A_57 = arith.constant 0 : i32
    %dma_wait3A_58 = tpu.memref_slice %arg13[%dma_wait3A, %dma_wait3A_57] : memref<160x128xi32, #tpu.memory_space<vmem>> -> memref<1x128xi32, #tpu.memory_space<vmem>>
    %dma_wait3A_59 = tpu.memref_squeeze %dma_wait3A_58 : memref<1x128xi32, #tpu.memory_space<vmem>> -> memref<128xi32, #tpu.memory_space<vmem>>
    %dma_wait3A_60 = arith.constant 0 : i32
    %dma_wait3A_61 = tpu.memref_slice %arg8[%dma_wait3A_60] : memref<10240xf32, #tpu.memory_space<vmem_shared>> -> memref<10240xf32, #tpu.memory_space<vmem_shared>>
    tpu.wait_indirect_dma semaphore(%arg23 : memref<!tpu.dma_semaphore, #tpu.memory_space<semaphore_mem>>) src(%arg14 : memref<128xf32, #tpu.memory_space<vmem>>) dst(%dma_wait3A_61 : memref<10240xf32, #tpu.memory_space<vmem_shared>>)
    %dma_wait3A_62 = arith.constant 0 : i32
    %dma_wait3A_63 = arith.constant 0 : i32
    %dma_wait3A_64 = tpu.memref_slice %arg12[%dma_wait3A_62, %dma_wait3A_63] : memref<160x128xi32, #tpu.memory_space<vmem>> -> memref<1x128xi32, #tpu.memory_space<vmem>>
    %dma_wait3A_65 = tpu.memref_squeeze %dma_wait3A_64 : memref<1x128xi32, #tpu.memory_space<vmem>> -> memref<128xi32, #tpu.memory_space<vmem>>
    %dma_wait3A_66 = arith.constant 0 : i32
    %dma_wait3A_67 = tpu.memref_slice %arg9[%dma_wait3A_66] : memref<10240xf32, #tpu.memory_space<vmem_shared>> -> memref<10240xf32, #tpu.memory_space<vmem_shared>>
    tpu.wait_indirect_dma semaphore(%arg24 : memref<!tpu.dma_semaphore, #tpu.memory_space<semaphore_mem>>) src(%arg14 : memref<128xf32, #tpu.memory_space<vmem>>) dst(%dma_wait3A_67 : memref<10240xf32, #tpu.memory_space<vmem_shared>>)
    %dma_wait3A_68 = arith.constant 0 : i32
    %dma_wait3A_69 = arith.constant 0 : i32
    %dma_wait3A_70 = tpu.memref_slice %arg13[%dma_wait3A_68, %dma_wait3A_69] : memref<160x128xi32, #tpu.memory_space<vmem>> -> memref<1x128xi32, #tpu.memory_space<vmem>>
    %dma_wait3A_71 = tpu.memref_squeeze %dma_wait3A_70 : memref<1x128xi32, #tpu.memory_space<vmem>> -> memref<128xi32, #tpu.memory_space<vmem>>
    %dma_wait3A_72 = arith.constant 0 : i32
    %dma_wait3A_73 = tpu.memref_slice %arg8[%dma_wait3A_72] : memref<10240xf32, #tpu.memory_space<vmem_shared>> -> memref<10240xf32, #tpu.memory_space<vmem_shared>>
    tpu.wait_indirect_dma semaphore(%arg23 : memref<!tpu.dma_semaphore, #tpu.memory_space<semaphore_mem>>) src(%arg14 : memref<128xf32, #tpu.memory_space<vmem>>) dst(%dma_wait3A_73 : memref<10240xf32, #tpu.memory_space<vmem_shared>>)
    %dma_wait3A_74 = arith.constant 0 : i32
    %dma_wait3A_75 = arith.constant 0 : i32
    %dma_wait3A_76 = tpu.memref_slice %arg12[%dma_wait3A_74, %dma_wait3A_75] : memref<160x128xi32, #tpu.memory_space<vmem>> -> memref<1x128xi32, #tpu.memory_space<vmem>>
    %dma_wait3A_77 = tpu.memref_squeeze %dma_wait3A_76 : memref<1x128xi32, #tpu.memory_space<vmem>> -> memref<128xi32, #tpu.memory_space<vmem>>
    %dma_wait3A_78 = arith.constant 0 : i32
    %dma_wait3A_79 = tpu.memref_slice %arg9[%dma_wait3A_78] : memref<10240xf32, #tpu.memory_space<vmem_shared>> -> memref<10240xf32, #tpu.memory_space<vmem_shared>>
    tpu.wait_indirect_dma semaphore(%arg24 : memref<!tpu.dma_semaphore, #tpu.memory_space<semaphore_mem>>) src(%arg14 : memref<128xf32, #tpu.memory_space<vmem>>) dst(%dma_wait3A_79 : memref<10240xf32, #tpu.memory_space<vmem_shared>>)
    %dma_wait3A_80 = arith.constant 0 : i32
    %dma_wait3A_81 = arith.constant 0 : i32
    %dma_wait3A_82 = tpu.memref_slice %arg13[%dma_wait3A_80, %dma_wait3A_81] : memref<160x128xi32, #tpu.memory_space<vmem>> -> memref<1x128xi32, #tpu.memory_space<vmem>>
    %dma_wait3A_83 = tpu.memref_squeeze %dma_wait3A_82 : memref<1x128xi32, #tpu.memory_space<vmem>> -> memref<128xi32, #tpu.memory_space<vmem>>
    %dma_wait3A_84 = arith.constant 0 : i32
    %dma_wait3A_85 = tpu.memref_slice %arg8[%dma_wait3A_84] : memref<10240xf32, #tpu.memory_space<vmem_shared>> -> memref<10240xf32, #tpu.memory_space<vmem_shared>>
    tpu.wait_indirect_dma semaphore(%arg23 : memref<!tpu.dma_semaphore, #tpu.memory_space<semaphore_mem>>) src(%arg14 : memref<128xf32, #tpu.memory_space<vmem>>) dst(%dma_wait3A_85 : memref<10240xf32, #tpu.memory_space<vmem_shared>>)
    %dma_wait3A_86 = arith.constant 0 : i32
    %dma_wait3A_87 = arith.constant 0 : i32
    %dma_wait3A_88 = tpu.memref_slice %arg12[%dma_wait3A_86, %dma_wait3A_87] : memref<160x128xi32, #tpu.memory_space<vmem>> -> memref<1x128xi32, #tpu.memory_space<vmem>>
    %dma_wait3A_89 = tpu.memref_squeeze %dma_wait3A_88 : memref<1x128xi32, #tpu.memory_space<vmem>> -> memref<128xi32, #tpu.memory_space<vmem>>
    %dma_wait3A_90 = arith.constant 0 : i32
    %dma_wait3A_91 = tpu.memref_slice %arg9[%dma_wait3A_90] : memref<10240xf32, #tpu.memory_space<vmem_shared>> -> memref<10240xf32, #tpu.memory_space<vmem_shared>>
    tpu.wait_indirect_dma semaphore(%arg24 : memref<!tpu.dma_semaphore, #tpu.memory_space<semaphore_mem>>) src(%arg14 : memref<128xf32, #tpu.memory_space<vmem>>) dst(%dma_wait3A_91 : memref<10240xf32, #tpu.memory_space<vmem_shared>>)
    %dma_wait3A_92 = arith.constant 0 : i32
    %dma_wait3A_93 = arith.constant 0 : i32
    %dma_wait3A_94 = tpu.memref_slice %arg13[%dma_wait3A_92, %dma_wait3A_93] : memref<160x128xi32, #tpu.memory_space<vmem>> -> memref<1x128xi32, #tpu.memory_space<vmem>>
    %dma_wait3A_95 = tpu.memref_squeeze %dma_wait3A_94 : memref<1x128xi32, #tpu.memory_space<vmem>> -> memref<128xi32, #tpu.memory_space<vmem>>
    %dma_wait3A_96 = arith.constant 0 : i32
    %dma_wait3A_97 = tpu.memref_slice %arg8[%dma_wait3A_96] : memref<10240xf32, #tpu.memory_space<vmem_shared>> -> memref<10240xf32, #tpu.memory_space<vmem_shared>>
    tpu.wait_indirect_dma semaphore(%arg23 : memref<!tpu.dma_semaphore, #tpu.memory_space<semaphore_mem>>) src(%arg14 : memref<128xf32, #tpu.memory_space<vmem>>) dst(%dma_wait3A_97 : memref<10240xf32, #tpu.memory_space<vmem_shared>>)
    %dma_wait3A_98 = arith.constant 0 : i32
    %dma_wait3A_99 = arith.constant 0 : i32
    %dma_wait3A_100 = tpu.memref_slice %arg12[%dma_wait3A_98, %dma_wait3A_99] : memref<160x128xi32, #tpu.memory_space<vmem>> -> memref<1x128xi32, #tpu.memory_space<vmem>>
    %dma_wait3A_101 = tpu.memref_squeeze %dma_wait3A_100 : memref<1x128xi32, #tpu.memory_space<vmem>> -> memref<128xi32, #tpu.memory_space<vmem>>
    %dma_wait3A_102 = arith.constant 0 : i32
    %dma_wait3A_103 = tpu.memref_slice %arg9[%dma_wait3A_102] : memref<10240xf32, #tpu.memory_space<vmem_shared>> -> memref<10240xf32, #tpu.memory_space<vmem_shared>>
    tpu.wait_indirect_dma semaphore(%arg24 : memref<!tpu.dma_semaphore, #tpu.memory_space<semaphore_mem>>) src(%arg14 : memref<128xf32, #tpu.memory_space<vmem>>) dst(%dma_wait3A_103 : memref<10240xf32, #tpu.memory_space<vmem_shared>>)
    %dma_wait3A_104 = arith.constant 0 : i32
    %dma_wait3A_105 = arith.constant 0 : i32
    %dma_wait3A_106 = tpu.memref_slice %arg13[%dma_wait3A_104, %dma_wait3A_105] : memref<160x128xi32, #tpu.memory_space<vmem>> -> memref<1x128xi32, #tpu.memory_space<vmem>>
    %dma_wait3A_107 = tpu.memref_squeeze %dma_wait3A_106 : memref<1x128xi32, #tpu.memory_space<vmem>> -> memref<128xi32, #tpu.memory_space<vmem>>
    %dma_wait3A_108 = arith.constant 0 : i32
    %dma_wait3A_109 = tpu.memref_slice %arg8[%dma_wait3A_108] : memref<10240xf32, #tpu.memory_space<vmem_shared>> -> memref<10240xf32, #tpu.memory_space<vmem_shared>>
    tpu.wait_indirect_dma semaphore(%arg23 : memref<!tpu.dma_semaphore, #tpu.memory_space<semaphore_mem>>) src(%arg14 : memref<128xf32, #tpu.memory_space<vmem>>) dst(%dma_wait3A_109 : memref<10240xf32, #tpu.memory_space<vmem_shared>>)
    %dma_wait3A_110 = arith.constant 0 : i32
    %dma_wait3A_111 = arith.constant 0 : i32
    %dma_wait3A_112 = tpu.memref_slice %arg12[%dma_wait3A_110, %dma_wait3A_111] : memref<160x128xi32, #tpu.memory_space<vmem>> -> memref<1x128xi32, #tpu.memory_space<vmem>>
    %dma_wait3A_113 = tpu.memref_squeeze %dma_wait3A_112 : memref<1x128xi32, #tpu.memory_space<vmem>> -> memref<128xi32, #tpu.memory_space<vmem>>
    %dma_wait3A_114 = arith.constant 0 : i32
    %dma_wait3A_115 = tpu.memref_slice %arg9[%dma_wait3A_114] : memref<10240xf32, #tpu.memory_space<vmem_shared>> -> memref<10240xf32, #tpu.memory_space<vmem_shared>>
    tpu.wait_indirect_dma semaphore(%arg24 : memref<!tpu.dma_semaphore, #tpu.memory_space<semaphore_mem>>) src(%arg14 : memref<128xf32, #tpu.memory_space<vmem>>) dst(%dma_wait3A_115 : memref<10240xf32, #tpu.memory_space<vmem_shared>>)
    %dma_wait3A_116 = arith.constant 0 : i32
    %dma_wait3A_117 = arith.constant 0 : i32
    %dma_wait3A_118 = tpu.memref_slice %arg13[%dma_wait3A_116, %dma_wait3A_117] : memref<160x128xi32, #tpu.memory_space<vmem>> -> memref<1x128xi32, #tpu.memory_space<vmem>>
    %dma_wait3A_119 = tpu.memref_squeeze %dma_wait3A_118 : memref<1x128xi32, #tpu.memory_space<vmem>> -> memref<128xi32, #tpu.memory_space<vmem>>
    %dma_wait3A_120 = arith.constant 0 : i32
    %dma_wait3A_121 = tpu.memref_slice %arg8[%dma_wait3A_120] : memref<10240xf32, #tpu.memory_space<vmem_shared>> -> memref<10240xf32, #tpu.memory_space<vmem_shared>>
    tpu.wait_indirect_dma semaphore(%arg23 : memref<!tpu.dma_semaphore, #tpu.memory_space<semaphore_mem>>) src(%arg14 : memref<128xf32, #tpu.memory_space<vmem>>) dst(%dma_wait3A_121 : memref<10240xf32, #tpu.memory_space<vmem_shared>>)
    %dma_wait3A_122 = arith.constant 0 : i32
    %dma_wait3A_123 = arith.constant 0 : i32
    %dma_wait3A_124 = tpu.memref_slice %arg12[%dma_wait3A_122, %dma_wait3A_123] : memref<160x128xi32, #tpu.memory_space<vmem>> -> memref<1x128xi32, #tpu.memory_space<vmem>>
    %dma_wait3A_125 = tpu.memref_squeeze %dma_wait3A_124 : memref<1x128xi32, #tpu.memory_space<vmem>> -> memref<128xi32, #tpu.memory_space<vmem>>
    %dma_wait3A_126 = arith.constant 0 : i32
    %dma_wait3A_127 = tpu.memref_slice %arg9[%dma_wait3A_126] : memref<10240xf32, #tpu.memory_space<vmem_shared>> -> memref<10240xf32, #tpu.memory_space<vmem_shared>>
    tpu.wait_indirect_dma semaphore(%arg24 : memref<!tpu.dma_semaphore, #tpu.memory_space<semaphore_mem>>) src(%arg14 : memref<128xf32, #tpu.memory_space<vmem>>) dst(%dma_wait3A_127 : memref<10240xf32, #tpu.memory_space<vmem_shared>>)
    %dma_wait3A_128 = arith.constant 0 : i32
    %dma_wait3A_129 = arith.constant 0 : i32
    %dma_wait3A_130 = tpu.memref_slice %arg13[%dma_wait3A_128, %dma_wait3A_129] : memref<160x128xi32, #tpu.memory_space<vmem>> -> memref<1x128xi32, #tpu.memory_space<vmem>>
    %dma_wait3A_131 = tpu.memref_squeeze %dma_wait3A_130 : memref<1x128xi32, #tpu.memory_space<vmem>> -> memref<128xi32, #tpu.memory_space<vmem>>
    %dma_wait3A_132 = arith.constant 0 : i32
    %dma_wait3A_133 = tpu.memref_slice %arg8[%dma_wait3A_132] : memref<10240xf32, #tpu.memory_space<vmem_shared>> -> memref<10240xf32, #tpu.memory_space<vmem_shared>>
    tpu.wait_indirect_dma semaphore(%arg23 : memref<!tpu.dma_semaphore, #tpu.memory_space<semaphore_mem>>) src(%arg14 : memref<128xf32, #tpu.memory_space<vmem>>) dst(%dma_wait3A_133 : memref<10240xf32, #tpu.memory_space<vmem_shared>>)
    %dma_wait3A_134 = arith.constant 0 : i32
    %dma_wait3A_135 = arith.constant 0 : i32
    %dma_wait3A_136 = tpu.memref_slice %arg12[%dma_wait3A_134, %dma_wait3A_135] : memref<160x128xi32, #tpu.memory_space<vmem>> -> memref<1x128xi32, #tpu.memory_space<vmem>>
    %dma_wait3A_137 = tpu.memref_squeeze %dma_wait3A_136 : memref<1x128xi32, #tpu.memory_space<vmem>> -> memref<128xi32, #tpu.memory_space<vmem>>
    %dma_wait3A_138 = arith.constant 0 : i32
    %dma_wait3A_139 = tpu.memref_slice %arg9[%dma_wait3A_138] : memref<10240xf32, #tpu.memory_space<vmem_shared>> -> memref<10240xf32, #tpu.memory_space<vmem_shared>>
    tpu.wait_indirect_dma semaphore(%arg24 : memref<!tpu.dma_semaphore, #tpu.memory_space<semaphore_mem>>) src(%arg14 : memref<128xf32, #tpu.memory_space<vmem>>) dst(%dma_wait3A_139 : memref<10240xf32, #tpu.memory_space<vmem_shared>>)
    %dma_wait3A_140 = arith.constant 0 : i32
    %dma_wait3A_141 = arith.constant 0 : i32
    %dma_wait3A_142 = tpu.memref_slice %arg13[%dma_wait3A_140, %dma_wait3A_141] : memref<160x128xi32, #tpu.memory_space<vmem>> -> memref<1x128xi32, #tpu.memory_space<vmem>>
    %dma_wait3A_143 = tpu.memref_squeeze %dma_wait3A_142 : memref<1x128xi32, #tpu.memory_space<vmem>> -> memref<128xi32, #tpu.memory_space<vmem>>
    %dma_wait3A_144 = arith.constant 0 : i32
    %dma_wait3A_145 = tpu.memref_slice %arg8[%dma_wait3A_144] : memref<10240xf32, #tpu.memory_space<vmem_shared>> -> memref<10240xf32, #tpu.memory_space<vmem_shared>>
    tpu.wait_indirect_dma semaphore(%arg23 : memref<!tpu.dma_semaphore, #tpu.memory_space<semaphore_mem>>) src(%arg14 : memref<128xf32, #tpu.memory_space<vmem>>) dst(%dma_wait3A_145 : memref<10240xf32, #tpu.memory_space<vmem_shared>>)
    %dma_wait3A_146 = arith.constant 0 : i32
    %dma_wait3A_147 = arith.constant 0 : i32
    %dma_wait3A_148 = tpu.memref_slice %arg12[%dma_wait3A_146, %dma_wait3A_147] : memref<160x128xi32, #tpu.memory_space<vmem>> -> memref<1x128xi32, #tpu.memory_space<vmem>>
    %dma_wait3A_149 = tpu.memref_squeeze %dma_wait3A_148 : memref<1x128xi32, #tpu.memory_space<vmem>> -> memref<128xi32, #tpu.memory_space<vmem>>
    %dma_wait3A_150 = arith.constant 0 : i32
    %dma_wait3A_151 = tpu.memref_slice %arg9[%dma_wait3A_150] : memref<10240xf32, #tpu.memory_space<vmem_shared>> -> memref<10240xf32, #tpu.memory_space<vmem_shared>>
    tpu.wait_indirect_dma semaphore(%arg24 : memref<!tpu.dma_semaphore, #tpu.memory_space<semaphore_mem>>) src(%arg14 : memref<128xf32, #tpu.memory_space<vmem>>) dst(%dma_wait3A_151 : memref<10240xf32, #tpu.memory_space<vmem_shared>>)
    %barrier3A_152 = arith.constant 0 : index
    tpu.barrier barrier_id(%barrier3A_152)
    "tpu.region"() ({
      %run_scoped3A = tpu.sem_alloc : memref<!tpu.dma_semaphore, #tpu.memory_space<semaphore_mem>>
      %dma_start3A_198 = tpu.memref_slice %arg8[%mul3A_0] : memref<10240xf32, #tpu.memory_space<vmem_shared>> -> memref<640xf32, #tpu.memory_space<vmem_shared>>
      %dma_start3A_199 = tpu.memref_slice %arg8[%mul3A_0] : memref<10240xf32, #tpu.memory_space<vmem_shared>> -> memref<640xf32, #tpu.memory_space<vmem_shared>>
      tpu.enqueue_dma source(%dma_start3A_199 : memref<640xf32, #tpu.memory_space<vmem_shared>>) target(%arg17 : memref<640xf32, #tpu.memory_space<vmem>>) target_semaphore(%run_scoped3A : memref<!tpu.dma_semaphore, #tpu.memory_space<semaphore_mem>>)
      %dma_wait3A_200 = tpu.memref_slice %arg8[%mul3A_0] : memref<10240xf32, #tpu.memory_space<vmem_shared>> -> memref<640xf32, #tpu.memory_space<vmem_shared>>
      %dma_wait3A_201 = tpu.memref_slice %arg8[%mul3A_0] : memref<10240xf32, #tpu.memory_space<vmem_shared>> -> memref<640xf32, #tpu.memory_space<vmem_shared>>
      tpu.wait_dma2 semaphore(%run_scoped3A : memref<!tpu.dma_semaphore, #tpu.memory_space<semaphore_mem>>) src(%dma_wait3A_201 : memref<640xf32, #tpu.memory_space<vmem_shared>>) dst(%arg17 : memref<640xf32, #tpu.memory_space<vmem>>)
      tpu.yield
    }) : () -> ()
    "tpu.region"() ({
      %run_scoped3A = tpu.sem_alloc : memref<!tpu.dma_semaphore, #tpu.memory_space<semaphore_mem>>
      %dma_start3A_198 = tpu.memref_slice %arg9[%mul3A_0] : memref<10240xf32, #tpu.memory_space<vmem_shared>> -> memref<640xf32, #tpu.memory_space<vmem_shared>>
      %dma_start3A_199 = tpu.memref_slice %arg9[%mul3A_0] : memref<10240xf32, #tpu.memory_space<vmem_shared>> -> memref<640xf32, #tpu.memory_space<vmem_shared>>
      tpu.enqueue_dma source(%dma_start3A_199 : memref<640xf32, #tpu.memory_space<vmem_shared>>) target(%arg18 : memref<640xf32, #tpu.memory_space<vmem>>) target_semaphore(%run_scoped3A : memref<!tpu.dma_semaphore, #tpu.memory_space<semaphore_mem>>)
      %dma_wait3A_200 = tpu.memref_slice %arg9[%mul3A_0] : memref<10240xf32, #tpu.memory_space<vmem_shared>> -> memref<640xf32, #tpu.memory_space<vmem_shared>>
      %dma_wait3A_201 = tpu.memref_slice %arg9[%mul3A_0] : memref<10240xf32, #tpu.memory_space<vmem_shared>> -> memref<640xf32, #tpu.memory_space<vmem_shared>>
      tpu.wait_dma2 semaphore(%run_scoped3A : memref<!tpu.dma_semaphore, #tpu.memory_space<semaphore_mem>>) src(%dma_wait3A_201 : memref<640xf32, #tpu.memory_space<vmem_shared>>) dst(%arg18 : memref<640xf32, #tpu.memory_space<vmem>>)
      tpu.yield
    }) : () -> ()
    %scan3A_153 = arith.constant 0 : i32
    %scan3A_154 = arith.constant 0 : i32
    %scan3A_155 = arith.constant 40 : i32
    %scan3A_156 = arith.addi %scan3A_154, %scan3A_155 : i32
    %scan3A_157 = arith.constant 1 : i32
    %scan3A_158 = scf.for %scan3A_198 = %scan3A_154 to %scan3A_156 step %scan3A_157 iter_args(%scan3A_199 = %scan3A_153) -> (i32)  : i32 {
      %mul3A_200 = arith.constant 16 : i32
      %mul3A_201 = arith.muli %scan3A_198, %mul3A_200 : i32
      %get3A = arith.index_cast %mul3A_201 : i32 to index
      %get3A_202 = tpu.vector_load %arg17[%get3A] {strides = array<i32>} : memref<640xf32, #tpu.memory_space<vmem>>, vector<16xf32>,
      %get3A_203 = vector.shape_cast %get3A_202 : vector<16xf32> to vector<16xf32>
      %get3A_204 = arith.index_cast %mul3A_201 : i32 to index
      %get3A_205 = tpu.vector_load %arg18[%get3A_204] {strides = array<i32>} : memref<640xf32, #tpu.memory_space<vmem>>, vector<16xf32>,
      %get3A_206 = vector.shape_cast %get3A_205 : vector<16xf32> to vector<16xf32>
      %max3A = arith.constant 1.000000e+00 : f32
      %max3A_207 = vector.broadcast %max3A : f32 to vector<16xf32>
      %max3A_208 = arith.maximumf %get3A_206, %max3A_207 : vector<16xf32>
      %ge3A = arith.constant 6.553600e+04 : f32
      %ge3A_209 = vector.broadcast %ge3A : f32 to vector<16xf32>
      %ge3A_210 = arith.cmpf oge, %max3A_208, %ge3A_209 : vector<16xf32>
      %ge3A_211 = arith.constant 2.560000e+02 : f32
      %ge3A_212 = vector.broadcast %ge3A_211 : f32 to vector<16xf32>
      %ge3A_213 = arith.cmpf oge, %max3A_208, %ge3A_212 : vector<16xf32>
      %jit3A = arith.constant 1.600000e+01 : f32
      %jit3A_214 = arith.constant 1.000000e+00 : f32
      %broadcast_in_dim3A_215 = vector.broadcast %jit3A : f32 to vector<16xf32>
      %broadcast_in_dim3A_216 = vector.broadcast %jit3A_214 : f32 to vector<16xf32>
      %select_n3A = arith.select %ge3A_213, %broadcast_in_dim3A_215, %broadcast_in_dim3A_216 : vector<16xi1>, vector<16xf32>
      %jit3A_217 = arith.constant 2.560000e+02 : f32
      %broadcast_in_dim3A_218 = vector.broadcast %jit3A_217 : f32 to vector<16xf32>
      %select_n3A_219 = arith.select %ge3A_210, %broadcast_in_dim3A_218, %select_n3A : vector<16xi1>, vector<16xf32>
      %mul3A_220 = arith.mulf %select_n3A_219, %select_n3A_219 : vector<16xf32>
      %div3A = arith.divf %max3A_208, %mul3A_220 : vector<16xf32>
      %mul3A_221 = arith.constant 9.000000e-02 : f32
      %mul3A_222 = vector.broadcast %mul3A_221 : f32 to vector<16xf32>
      %mul3A_223 = arith.mulf %mul3A_222, %div3A : vector<16xf32>
      %add3A_224 = arith.constant 1.600000e+00 : f32
      %add3A_225 = vector.broadcast %add3A_224 : f32 to vector<16xf32>
      %add3A_226 = arith.addf %mul3A_223, %add3A_225 : vector<16xf32>
      %div3A_227 = arith.divf %div3A, %add3A_226 : vector<16xf32>
      %add3A_228 = arith.addf %add3A_226, %div3A_227 : vector<16xf32>
      %mul3A_229 = arith.constant 5.000000e-01 : f32
      %mul3A_230 = vector.broadcast %mul3A_229 : f32 to vector<16xf32>
      %mul3A_231 = arith.mulf %mul3A_230, %add3A_228 : vector<16xf32>
      %div3A_232 = arith.divf %div3A, %mul3A_231 : vector<16xf32>
      %add3A_233 = arith.addf %mul3A_231, %div3A_232 : vector<16xf32>
      %mul3A_234 = arith.constant 5.000000e-01 : f32
      %mul3A_235 = vector.broadcast %mul3A_234 : f32 to vector<16xf32>
      %mul3A_236 = arith.mulf %mul3A_235, %add3A_233 : vector<16xf32>
      %div3A_237 = arith.divf %div3A, %mul3A_236 : vector<16xf32>
      %add3A_238 = arith.addf %mul3A_236, %div3A_237 : vector<16xf32>
      %mul3A_239 = arith.constant 5.000000e-01 : f32
      %mul3A_240 = vector.broadcast %mul3A_239 : f32 to vector<16xf32>
      %mul3A_241 = arith.mulf %mul3A_240, %add3A_238 : vector<16xf32>
      %div3A_242 = arith.divf %div3A, %mul3A_241 : vector<16xf32>
      %add3A_243 = arith.addf %mul3A_241, %div3A_242 : vector<16xf32>
      %mul3A_244 = arith.constant 5.000000e-01 : f32
      %mul3A_245 = vector.broadcast %mul3A_244 : f32 to vector<16xf32>
      %mul3A_246 = arith.mulf %mul3A_245, %add3A_243 : vector<16xf32>
      %div3A_247 = arith.divf %div3A, %mul3A_246 : vector<16xf32>
      %add3A_248 = arith.addf %mul3A_246, %div3A_247 : vector<16xf32>
      %mul3A_249 = arith.constant 5.000000e-01 : f32
      %mul3A_250 = vector.broadcast %mul3A_249 : f32 to vector<16xf32>
      %mul3A_251 = arith.mulf %mul3A_250, %add3A_248 : vector<16xf32>
      %gt3A = arith.constant 0.000000e+00 : f32
      %gt3A_252 = vector.broadcast %gt3A : f32 to vector<16xf32>
      %gt3A_253 = arith.cmpf ogt, %get3A_206, %gt3A_252 : vector<16xf32>
      %mul3A_254 = arith.mulf %select_n3A_219, %mul3A_251 : vector<16xf32>
      %div3A_255 = arith.constant 1.000000e+00 : f32
      %div3A_256 = vector.broadcast %div3A_255 : f32 to vector<16xf32>
      %div3A_257 = arith.divf %div3A_256, %mul3A_254 : vector<16xf32>
      %jit3A_258 = arith.constant 0.000000e+00 : f32
      %broadcast_in_dim3A_259 = vector.broadcast %jit3A_258 : f32 to vector<16xf32>
      %select_n3A_260 = arith.select %gt3A_253, %div3A_257, %broadcast_in_dim3A_259 : vector<16xi1>, vector<16xf32>
      %mul3A_261 = arith.mulf %get3A_203, %select_n3A_260 : vector<16xf32>
      %swap3A_262 = arith.index_cast %mul3A_201 : i32 to index
      %swap3A_263 = tpu.vector_load %arg19[%swap3A_262] {strides = array<i32>} : memref<640xf32, #tpu.memory_space<vmem>>, vector<16xf32>,
      %swap3A_264 = vector.shape_cast %swap3A_263 : vector<16xf32> to vector<16xf32>
      %swap3A_265 = vector.shape_cast %mul3A_261 : vector<16xf32> to vector<16xf32>
      tpu.vector_store %arg19[%swap3A_262], %swap3A_265 {strides = array<i32>} : memref<640xf32, #tpu.memory_space<vmem>>, vector<16xf32>,
      %max3A_266 = arith.constant 1.000000e+00 : f32
      %max3A_267 = vector.broadcast %max3A_266 : f32 to vector<16xf32>
      %max3A_268 = arith.maximumf %get3A_203, %max3A_267 : vector<16xf32>
      %ge3A_269 = arith.constant 6.553600e+04 : f32
      %ge3A_270 = vector.broadcast %ge3A_269 : f32 to vector<16xf32>
      %ge3A_271 = arith.cmpf oge, %max3A_268, %ge3A_270 : vector<16xf32>
      %ge3A_272 = arith.constant 2.560000e+02 : f32
      %ge3A_273 = vector.broadcast %ge3A_272 : f32 to vector<16xf32>
      %ge3A_274 = arith.cmpf oge, %max3A_268, %ge3A_273 : vector<16xf32>
      %jit3A_275 = arith.constant 1.600000e+01 : f32
      %jit3A_276 = arith.constant 1.000000e+00 : f32
      %broadcast_in_dim3A_277 = vector.broadcast %jit3A_275 : f32 to vector<16xf32>
      %broadcast_in_dim3A_278 = vector.broadcast %jit3A_276 : f32 to vector<16xf32>
      %select_n3A_279 = arith.select %ge3A_274, %broadcast_in_dim3A_277, %broadcast_in_dim3A_278 : vector<16xi1>, vector<16xf32>
      %jit3A_280 = arith.constant 2.560000e+02 : f32
      %broadcast_in_dim3A_281 = vector.broadcast %jit3A_280 : f32 to vector<16xf32>
      %select_n3A_282 = arith.select %ge3A_271, %broadcast_in_dim3A_281, %select_n3A_279 : vector<16xi1>, vector<16xf32>
      %mul3A_283 = arith.mulf %select_n3A_282, %select_n3A_282 : vector<16xf32>
      %div3A_284 = arith.divf %max3A_268, %mul3A_283 : vector<16xf32>
      %mul3A_285 = arith.constant 9.000000e-02 : f32
      %mul3A_286 = vector.broadcast %mul3A_285 : f32 to vector<16xf32>
      %mul3A_287 = arith.mulf %mul3A_286, %div3A_284 : vector<16xf32>
      %add3A_288 = arith.constant 1.600000e+00 : f32
      %add3A_289 = vector.broadcast %add3A_288 : f32 to vector<16xf32>
      %add3A_290 = arith.addf %mul3A_287, %add3A_289 : vector<16xf32>
      %div3A_291 = arith.divf %div3A_284, %add3A_290 : vector<16xf32>
      %add3A_292 = arith.addf %add3A_290, %div3A_291 : vector<16xf32>
      %mul3A_293 = arith.constant 5.000000e-01 : f32
      %mul3A_294 = vector.broadcast %mul3A_293 : f32 to vector<16xf32>
      %mul3A_295 = arith.mulf %mul3A_294, %add3A_292 : vector<16xf32>
      %div3A_296 = arith.divf %div3A_284, %mul3A_295 : vector<16xf32>
      %add3A_297 = arith.addf %mul3A_295, %div3A_296 : vector<16xf32>
      %mul3A_298 = arith.constant 5.000000e-01 : f32
      %mul3A_299 = vector.broadcast %mul3A_298 : f32 to vector<16xf32>
      %mul3A_300 = arith.mulf %mul3A_299, %add3A_297 : vector<16xf32>
      %div3A_301 = arith.divf %div3A_284, %mul3A_300 : vector<16xf32>
      %add3A_302 = arith.addf %mul3A_300, %div3A_301 : vector<16xf32>
      %mul3A_303 = arith.constant 5.000000e-01 : f32
      %mul3A_304 = vector.broadcast %mul3A_303 : f32 to vector<16xf32>
      %mul3A_305 = arith.mulf %mul3A_304, %add3A_302 : vector<16xf32>
      %div3A_306 = arith.divf %div3A_284, %mul3A_305 : vector<16xf32>
      %add3A_307 = arith.addf %mul3A_305, %div3A_306 : vector<16xf32>
      %mul3A_308 = arith.constant 5.000000e-01 : f32
      %mul3A_309 = vector.broadcast %mul3A_308 : f32 to vector<16xf32>
      %mul3A_310 = arith.mulf %mul3A_309, %add3A_307 : vector<16xf32>
      %div3A_311 = arith.divf %div3A_284, %mul3A_310 : vector<16xf32>
      %add3A_312 = arith.addf %mul3A_310, %div3A_311 : vector<16xf32>
      %mul3A_313 = arith.constant 5.000000e-01 : f32
      %mul3A_314 = vector.broadcast %mul3A_313 : f32 to vector<16xf32>
      %mul3A_315 = arith.mulf %mul3A_314, %add3A_312 : vector<16xf32>
      %gt3A_316 = arith.constant 0.000000e+00 : f32
      %gt3A_317 = vector.broadcast %gt3A_316 : f32 to vector<16xf32>
      %gt3A_318 = arith.cmpf ogt, %get3A_203, %gt3A_317 : vector<16xf32>
      %mul3A_319 = arith.mulf %select_n3A_282, %mul3A_315 : vector<16xf32>
      %div3A_320 = arith.constant 1.000000e+00 : f32
      %div3A_321 = vector.broadcast %div3A_320 : f32 to vector<16xf32>
      %div3A_322 = arith.divf %div3A_321, %mul3A_319 : vector<16xf32>
      %jit3A_323 = arith.constant 0.000000e+00 : f32
      %broadcast_in_dim3A_324 = vector.broadcast %jit3A_323 : f32 to vector<16xf32>
      %select_n3A_325 = arith.select %gt3A_318, %div3A_322, %broadcast_in_dim3A_324 : vector<16xi1>, vector<16xf32>
      %swap3A_326 = arith.index_cast %mul3A_201 : i32 to index
      %swap3A_327 = tpu.vector_load %arg20[%swap3A_326] {strides = array<i32>} : memref<640xf32, #tpu.memory_space<vmem>>, vector<16xf32>,
      %swap3A_328 = vector.shape_cast %swap3A_327 : vector<16xf32> to vector<16xf32>
      %swap3A_329 = vector.shape_cast %select_n3A_325 : vector<16xf32> to vector<16xf32>
      tpu.vector_store %arg20[%swap3A_326], %swap3A_329 {strides = array<i32>} : memref<640xf32, #tpu.memory_space<vmem>>, vector<16xf32>,
      %swap3A_330 = arith.index_cast %mul3A_201 : i32 to index
      %swap3A_331 = tpu.vector_load %arg17[%swap3A_330] {strides = array<i32>} : memref<640xf32, #tpu.memory_space<vmem>>, vector<16xf32>,
      %swap3A_332 = vector.shape_cast %swap3A_331 : vector<16xf32> to vector<16xf32>
      %swap3A_333 = vector.shape_cast %select_n3A_260 : vector<16xf32> to vector<16xf32>
      tpu.vector_store %arg17[%swap3A_330], %swap3A_333 {strides = array<i32>} : memref<640xf32, #tpu.memory_space<vmem>>, vector<16xf32>,
      %scan3A_334 = arith.constant 0 : i32
      scf.yield %scan3A_334 : i32
    }
    %scan3A_159 = arith.constant 40 : i32
    "tpu.region"() ({
      %run_scoped3A = tpu.sem_alloc : memref<!tpu.dma_semaphore, #tpu.memory_space<semaphore_mem>>
      %dma_start3A_198 = tpu.memref_slice %arg10[%mul3A_0] : memref<10240xf32, #tpu.memory_space<vmem_shared>> -> memref<640xf32, #tpu.memory_space<vmem_shared>>
      %dma_start3A_199 = tpu.memref_slice %arg10[%mul3A_0] : memref<10240xf32, #tpu.memory_space<vmem_shared>> -> memref<640xf32, #tpu.memory_space<vmem_shared>>
      tpu.enqueue_dma source(%arg19 : memref<640xf32, #tpu.memory_space<vmem>>) target(%dma_start3A_199 : memref<640xf32, #tpu.memory_space<vmem_shared>>) target_semaphore(%run_scoped3A : memref<!tpu.dma_semaphore, #tpu.memory_space<semaphore_mem>>)
      %dma_wait3A_200 = tpu.memref_slice %arg10[%mul3A_0] : memref<10240xf32, #tpu.memory_space<vmem_shared>> -> memref<640xf32, #tpu.memory_space<vmem_shared>>
      %dma_wait3A_201 = tpu.memref_slice %arg10[%mul3A_0] : memref<10240xf32, #tpu.memory_space<vmem_shared>> -> memref<640xf32, #tpu.memory_space<vmem_shared>>
      tpu.wait_dma2 semaphore(%run_scoped3A : memref<!tpu.dma_semaphore, #tpu.memory_space<semaphore_mem>>) src(%arg19 : memref<640xf32, #tpu.memory_space<vmem>>) dst(%dma_wait3A_201 : memref<640xf32, #tpu.memory_space<vmem_shared>>)
      tpu.yield
    }) : () -> ()
    %eq3A = arith.constant 0 : i32
    %eq3A_160 = arith.cmpi eq, %arg0, %eq3A : i32
    %convert_element_type3A = arith.extui %eq3A_160 : i1 to i32
    %cond3A = arith.constant 0 : i32
    %cond3A_161 = arith.cmpi ne, %convert_element_type3A, %cond3A : i32
    scf.if %cond3A_161 {
      "tpu.region"() ({
        %run_scoped3A = tpu.sem_alloc : memref<!tpu.dma_semaphore, #tpu.memory_space<semaphore_mem>>
        %dma_start3A_198 = tpu.memref_slice %arg6[%mul3A_0] : memref<10240xf32, #tpu.memory_space<hbm>> -> memref<640xf32, #tpu.memory_space<hbm>>
        %dma_start3A_199 = tpu.memref_slice %arg6[%mul3A_0] : memref<10240xf32, #tpu.memory_space<hbm>> -> memref<640xf32, #tpu.memory_space<hbm>>
        tpu.enqueue_dma source(%arg20 : memref<640xf32, #tpu.memory_space<vmem>>) target(%dma_start3A_199 : memref<640xf32, #tpu.memory_space<hbm>>) target_semaphore(%run_scoped3A : memref<!tpu.dma_semaphore, #tpu.memory_space<semaphore_mem>>)
        %dma_wait3A_200 = tpu.memref_slice %arg6[%mul3A_0] : memref<10240xf32, #tpu.memory_space<hbm>> -> memref<640xf32, #tpu.memory_space<hbm>>
        %dma_wait3A_201 = tpu.memref_slice %arg6[%mul3A_0] : memref<10240xf32, #tpu.memory_space<hbm>> -> memref<640xf32, #tpu.memory_space<hbm>>
        tpu.wait_dma2 semaphore(%run_scoped3A : memref<!tpu.dma_semaphore, #tpu.memory_space<semaphore_mem>>) src(%arg20 : memref<640xf32, #tpu.memory_space<vmem>>) dst(%dma_wait3A_201 : memref<640xf32, #tpu.memory_space<hbm>>)
        tpu.yield
      }) : () -> ()
      "tpu.region"() ({
        %run_scoped3A = tpu.sem_alloc : memref<!tpu.dma_semaphore, #tpu.memory_space<semaphore_mem>>
        %dma_start3A_198 = tpu.memref_slice %arg7[%mul3A_0] : memref<10240xf32, #tpu.memory_space<hbm>> -> memref<640xf32, #tpu.memory_space<hbm>>
        %dma_start3A_199 = tpu.memref_slice %arg7[%mul3A_0] : memref<10240xf32, #tpu.memory_space<hbm>> -> memref<640xf32, #tpu.memory_space<hbm>>
        tpu.enqueue_dma source(%arg17 : memref<640xf32, #tpu.memory_space<vmem>>) target(%dma_start3A_199 : memref<640xf32, #tpu.memory_space<hbm>>) target_semaphore(%run_scoped3A : memref<!tpu.dma_semaphore, #tpu.memory_space<semaphore_mem>>)
        %dma_wait3A_200 = tpu.memref_slice %arg7[%mul3A_0] : memref<10240xf32, #tpu.memory_space<hbm>> -> memref<640xf32, #tpu.memory_space<hbm>>
        %dma_wait3A_201 = tpu.memref_slice %arg7[%mul3A_0] : memref<10240xf32, #tpu.memory_space<hbm>> -> memref<640xf32, #tpu.memory_space<hbm>>
        tpu.wait_dma2 semaphore(%run_scoped3A : memref<!tpu.dma_semaphore, #tpu.memory_space<semaphore_mem>>) src(%arg17 : memref<640xf32, #tpu.memory_space<vmem>>) dst(%dma_wait3A_201 : memref<640xf32, #tpu.memory_space<hbm>>)
        tpu.yield
      }) : () -> ()
    } else {
    }
    %barrier3A_162 = arith.constant 0 : index
    tpu.barrier barrier_id(%barrier3A_162)
    %mul3A_163 = arith.constant 80 : i32
    %mul3A_164 = arith.muli %arg0, %mul3A_163 : i32
    %dma_start3A = arith.constant 0 : i32
    %dma_start3A_165 = tpu.memref_slice %arg12[%mul3A_164, %dma_start3A] : memref<160x128xi32, #tpu.memory_space<vmem>> -> memref<1x128xi32, #tpu.memory_space<vmem>>
    %dma_start3A_166 = tpu.memref_squeeze %dma_start3A_165 : memref<1x128xi32, #tpu.memory_space<vmem>> -> memref<128xi32, #tpu.memory_space<vmem>>
    %dma_start3A_167 = arith.constant 0 : i32
    %dma_start3A_168 = tpu.memref_slice %arg10[%dma_start3A_167] : memref<10240xf32, #tpu.memory_space<vmem_shared>> -> memref<10240xf32, #tpu.memory_space<vmem_shared>>
    tpu.enqueue_indirect_dma source(%dma_start3A_168 : memref<10240xf32, #tpu.memory_space<vmem_shared>>) target(%arg15 : memref<128xf32, #tpu.memory_space<vmem>>) offsets(%dma_start3A_166 : memref<128xi32, #tpu.memory_space<vmem>>) semaphore(%arg21 : memref<!tpu.dma_semaphore, #tpu.memory_space<semaphore_mem>>)
    %add3A = arith.constant 1 : i32
    %add3A_169 = arith.addi %mul3A_164, %add3A : i32
    %dma_start3A_170 = arith.constant 0 : i32
    %dma_start3A_171 = tpu.memref_slice %arg12[%add3A_169, %dma_start3A_170] : memref<160x128xi32, #tpu.memory_space<vmem>> -> memref<1x128xi32, #tpu.memory_space<vmem>>
    %dma_start3A_172 = tpu.memref_squeeze %dma_start3A_171 : memref<1x128xi32, #tpu.memory_space<vmem>> -> memref<128xi32, #tpu.memory_space<vmem>>
    %dma_start3A_173 = arith.constant 0 : i32
    %dma_start3A_174 = tpu.memref_slice %arg10[%dma_start3A_173] : memref<10240xf32, #tpu.memory_space<vmem_shared>> -> memref<10240xf32, #tpu.memory_space<vmem_shared>>
    tpu.enqueue_indirect_dma source(%dma_start3A_174 : memref<10240xf32, #tpu.memory_space<vmem_shared>>) target(%arg16 : memref<128xf32, #tpu.memory_space<vmem>>) offsets(%dma_start3A_172 : memref<128xi32, #tpu.memory_space<vmem>>) semaphore(%arg22 : memref<!tpu.dma_semaphore, #tpu.memory_space<semaphore_mem>>)
    %add3A_175 = arith.constant 80 : i32
    %add3A_176 = arith.addi %mul3A_164, %add3A_175 : i32
    %sub3A = arith.constant 1 : i32
    %sub3A_177 = arith.subi %add3A_176, %sub3A : i32
    %scan3A_178 = arith.constant 0 : i32
    %scan3A_179 = arith.constant 0 : i32
    %scan3A_180 = arith.constant 40 : i32
    %scan3A_181 = arith.addi %scan3A_179, %scan3A_180 : i32
    %scan3A_182 = arith.constant 1 : i32
    %scan3A_183 = scf.for %scan3A_198 = %scan3A_179 to %scan3A_181 step %scan3A_182 iter_args(%scan3A_199 = %scan3A_178) -> (i32)  : i32 {
      %mul3A_200 = arith.constant 2 : i32
      %mul3A_201 = arith.muli %mul3A_200, %scan3A_198 : i32
      %add3A_202 = arith.addi %mul3A_164, %mul3A_201 : i32
      %add3A_203 = arith.constant 1 : i32
      %add3A_204 = arith.addi %add3A_202, %add3A_203 : i32
      %dma_wait3A_205 = arith.constant 0 : i32
      %dma_wait3A_206 = tpu.memref_slice %arg12[%add3A_202, %dma_wait3A_205] : memref<160x128xi32, #tpu.memory_space<vmem>> -> memref<1x128xi32, #tpu.memory_space<vmem>>
      %dma_wait3A_207 = tpu.memref_squeeze %dma_wait3A_206 : memref<1x128xi32, #tpu.memory_space<vmem>> -> memref<128xi32, #tpu.memory_space<vmem>>
      %dma_wait3A_208 = arith.constant 0 : i32
      %dma_wait3A_209 = tpu.memref_slice %arg10[%dma_wait3A_208] : memref<10240xf32, #tpu.memory_space<vmem_shared>> -> memref<10240xf32, #tpu.memory_space<vmem_shared>>
      tpu.wait_indirect_dma semaphore(%arg21 : memref<!tpu.dma_semaphore, #tpu.memory_space<semaphore_mem>>) src(%dma_wait3A_209 : memref<10240xf32, #tpu.memory_space<vmem_shared>>) dst(%arg15 : memref<128xf32, #tpu.memory_space<vmem>>)
      %dma_start3A_210 = arith.constant 0 : i32
      %dma_start3A_211 = tpu.memref_slice %arg13[%add3A_202, %dma_start3A_210] : memref<160x128xi32, #tpu.memory_space<vmem>> -> memref<1x128xi32, #tpu.memory_space<vmem>>
      %dma_start3A_212 = tpu.memref_squeeze %dma_start3A_211 : memref<1x128xi32, #tpu.memory_space<vmem>> -> memref<128xi32, #tpu.memory_space<vmem>>
      %dma_start3A_213 = arith.constant 0 : i32
      %dma_start3A_214 = tpu.memref_slice %arg11[%dma_start3A_213] : memref<10240xf32, #tpu.memory_space<vmem_shared>> -> memref<10240xf32, #tpu.memory_space<vmem_shared>>
      tpu.enqueue_indirect_dma source(%arg15 : memref<128xf32, #tpu.memory_space<vmem>>) target(%dma_start3A_214 : memref<10240xf32, #tpu.memory_space<vmem_shared>>) offsets(%dma_start3A_212 : memref<128xi32, #tpu.memory_space<vmem>>) semaphore(%arg23 : memref<!tpu.dma_semaphore, #tpu.memory_space<semaphore_mem>>) {add = true}
      %dma_wait3A_215 = arith.constant 0 : i32
      %dma_wait3A_216 = tpu.memref_slice %arg12[%add3A_204, %dma_wait3A_215] : memref<160x128xi32, #tpu.memory_space<vmem>> -> memref<1x128xi32, #tpu.memory_space<vmem>>
      %dma_wait3A_217 = tpu.memref_squeeze %dma_wait3A_216 : memref<1x128xi32, #tpu.memory_space<vmem>> -> memref<128xi32, #tpu.memory_space<vmem>>
      %dma_wait3A_218 = arith.constant 0 : i32
      %dma_wait3A_219 = tpu.memref_slice %arg10[%dma_wait3A_218] : memref<10240xf32, #tpu.memory_space<vmem_shared>> -> memref<10240xf32, #tpu.memory_space<vmem_shared>>
      tpu.wait_indirect_dma semaphore(%arg22 : memref<!tpu.dma_semaphore, #tpu.memory_space<semaphore_mem>>) src(%dma_wait3A_219 : memref<10240xf32, #tpu.memory_space<vmem_shared>>) dst(%arg16 : memref<128xf32, #tpu.memory_space<vmem>>)
      %dma_start3A_220 = arith.constant 0 : i32
      %dma_start3A_221 = tpu.memref_slice %arg13[%add3A_204, %dma_start3A_220] : memref<160x128xi32, #tpu.memory_space<vmem>> -> memref<1x128xi32, #tpu.memory_space<vmem>>
      %dma_start3A_222 = tpu.memref_squeeze %dma_start3A_221 : memref<1x128xi32, #tpu.memory_space<vmem>> -> memref<128xi32, #tpu.memory_space<vmem>>
      %dma_start3A_223 = arith.constant 0 : i32
      %dma_start3A_224 = tpu.memref_slice %arg11[%dma_start3A_223] : memref<10240xf32, #tpu.memory_space<vmem_shared>> -> memref<10240xf32, #tpu.memory_space<vmem_shared>>
      tpu.enqueue_indirect_dma source(%arg16 : memref<128xf32, #tpu.memory_space<vmem>>) target(%dma_start3A_224 : memref<10240xf32, #tpu.memory_space<vmem_shared>>) offsets(%dma_start3A_222 : memref<128xi32, #tpu.memory_space<vmem>>) semaphore(%arg24 : memref<!tpu.dma_semaphore, #tpu.memory_space<semaphore_mem>>) {add = true}
      %dma_wait3A_225 = arith.constant 0 : i32
      %dma_wait3A_226 = tpu.memref_slice %arg13[%add3A_202, %dma_wait3A_225] : memref<160x128xi32, #tpu.memory_space<vmem>> -> memref<1x128xi32, #tpu.memory_space<vmem>>
      %dma_wait3A_227 = tpu.memref_squeeze %dma_wait3A_226 : memref<1x128xi32, #tpu.memory_space<vmem>> -> memref<128xi32, #tpu.memory_space<vmem>>
      %dma_wait3A_228 = arith.constant 0 : i32
      %dma_wait3A_229 = tpu.memref_slice %arg11[%dma_wait3A_228] : memref<10240xf32, #tpu.memory_space<vmem_shared>> -> memref<10240xf32, #tpu.memory_space<vmem_shared>>
      tpu.wait_indirect_dma semaphore(%arg23 : memref<!tpu.dma_semaphore, #tpu.memory_space<semaphore_mem>>) src(%arg15 : memref<128xf32, #tpu.memory_space<vmem>>) dst(%dma_wait3A_229 : memref<10240xf32, #tpu.memory_space<vmem_shared>>)
      %add3A_230 = arith.constant 2 : i32
      %add3A_231 = arith.addi %add3A_202, %add3A_230 : i32
      %sub3A_232 = arith.constant 1 : i32
      %sub3A_233 = arith.subi %sub3A_177, %sub3A_232 : i32
      %min3A = arith.minsi %add3A_231, %sub3A_233 : i32
      %dma_start3A_234 = arith.constant 0 : i32
      %dma_start3A_235 = tpu.memref_slice %arg12[%min3A, %dma_start3A_234] : memref<160x128xi32, #tpu.memory_space<vmem>> -> memref<1x128xi32, #tpu.memory_space<vmem>>
      %dma_start3A_236 = tpu.memref_squeeze %dma_start3A_235 : memref<1x128xi32, #tpu.memory_space<vmem>> -> memref<128xi32, #tpu.memory_space<vmem>>
      %dma_start3A_237 = arith.constant 0 : i32
      %dma_start3A_238 = tpu.memref_slice %arg10[%dma_start3A_237] : memref<10240xf32, #tpu.memory_space<vmem_shared>> -> memref<10240xf32, #tpu.memory_space<vmem_shared>>
      tpu.enqueue_indirect_dma source(%dma_start3A_238 : memref<10240xf32, #tpu.memory_space<vmem_shared>>) target(%arg15 : memref<128xf32, #tpu.memory_space<vmem>>) offsets(%dma_start3A_236 : memref<128xi32, #tpu.memory_space<vmem>>) semaphore(%arg21 : memref<!tpu.dma_semaphore, #tpu.memory_space<semaphore_mem>>)
      %dma_wait3A_239 = arith.constant 0 : i32
      %dma_wait3A_240 = tpu.memref_slice %arg13[%add3A_204, %dma_wait3A_239] : memref<160x128xi32, #tpu.memory_space<vmem>> -> memref<1x128xi32, #tpu.memory_space<vmem>>
      %dma_wait3A_241 = tpu.memref_squeeze %dma_wait3A_240 : memref<1x128xi32, #tpu.memory_space<vmem>> -> memref<128xi32, #tpu.memory_space<vmem>>
      %dma_wait3A_242 = arith.constant 0 : i32
      %dma_wait3A_243 = tpu.memref_slice %arg11[%dma_wait3A_242] : memref<10240xf32, #tpu.memory_space<vmem_shared>> -> memref<10240xf32, #tpu.memory_space<vmem_shared>>
      tpu.wait_indirect_dma semaphore(%arg24 : memref<!tpu.dma_semaphore, #tpu.memory_space<semaphore_mem>>) src(%arg16 : memref<128xf32, #tpu.memory_space<vmem>>) dst(%dma_wait3A_243 : memref<10240xf32, #tpu.memory_space<vmem_shared>>)
      %add3A_244 = arith.constant 2 : i32
      %add3A_245 = arith.addi %add3A_204, %add3A_244 : i32
      %min3A_246 = arith.minsi %add3A_245, %sub3A_177 : i32
      %dma_start3A_247 = arith.constant 0 : i32
      %dma_start3A_248 = tpu.memref_slice %arg12[%min3A_246, %dma_start3A_247] : memref<160x128xi32, #tpu.memory_space<vmem>> -> memref<1x128xi32, #tpu.memory_space<vmem>>
      %dma_start3A_249 = tpu.memref_squeeze %dma_start3A_248 : memref<1x128xi32, #tpu.memory_space<vmem>> -> memref<128xi32, #tpu.memory_space<vmem>>
      %dma_start3A_250 = arith.constant 0 : i32
      %dma_start3A_251 = tpu.memref_slice %arg10[%dma_start3A_250] : memref<10240xf32, #tpu.memory_space<vmem_shared>> -> memref<10240xf32, #tpu.memory_space<vmem_shared>>
      tpu.enqueue_indirect_dma source(%dma_start3A_251 : memref<10240xf32, #tpu.memory_space<vmem_shared>>) target(%arg16 : memref<128xf32, #tpu.memory_space<vmem>>) offsets(%dma_start3A_249 : memref<128xi32, #tpu.memory_space<vmem>>) semaphore(%arg22 : memref<!tpu.dma_semaphore, #tpu.memory_space<semaphore_mem>>)
      %scan3A_252 = arith.constant 0 : i32
      scf.yield %scan3A_252 : i32
    }
    %scan3A_184 = arith.constant 40 : i32
    %sub3A_185 = arith.constant 1 : i32
    %sub3A_186 = arith.subi %sub3A_177, %sub3A_185 : i32
    %dma_wait3A_187 = arith.constant 0 : i32
    %dma_wait3A_188 = tpu.memref_slice %arg12[%sub3A_186, %dma_wait3A_187] : memref<160x128xi32, #tpu.memory_space<vmem>> -> memref<1x128xi32, #tpu.memory_space<vmem>>
    %dma_wait3A_189 = tpu.memref_squeeze %dma_wait3A_188 : memref<1x128xi32, #tpu.memory_space<vmem>> -> memref<128xi32, #tpu.memory_space<vmem>>
    %dma_wait3A_190 = arith.constant 0 : i32
    %dma_wait3A_191 = tpu.memref_slice %arg10[%dma_wait3A_190] : memref<10240xf32, #tpu.memory_space<vmem_shared>> -> memref<10240xf32, #tpu.memory_space<vmem_shared>>
    tpu.wait_indirect_dma semaphore(%arg21 : memref<!tpu.dma_semaphore, #tpu.memory_space<semaphore_mem>>) src(%dma_wait3A_191 : memref<10240xf32, #tpu.memory_space<vmem_shared>>) dst(%arg15 : memref<128xf32, #tpu.memory_space<vmem>>)
    %dma_wait3A_192 = arith.constant 0 : i32
    %dma_wait3A_193 = tpu.memref_slice %arg12[%sub3A_177, %dma_wait3A_192] : memref<160x128xi32, #tpu.memory_space<vmem>> -> memref<1x128xi32, #tpu.memory_space<vmem>>
    %dma_wait3A_194 = tpu.memref_squeeze %dma_wait3A_193 : memref<1x128xi32, #tpu.memory_space<vmem>> -> memref<128xi32, #tpu.memory_space<vmem>>
    %dma_wait3A_195 = arith.constant 0 : i32
    %dma_wait3A_196 = tpu.memref_slice %arg10[%dma_wait3A_195] : memref<10240xf32, #tpu.memory_space<vmem_shared>> -> memref<10240xf32, #tpu.memory_space<vmem_shared>>
    tpu.wait_indirect_dma semaphore(%arg22 : memref<!tpu.dma_semaphore, #tpu.memory_space<semaphore_mem>>) src(%dma_wait3A_196 : memref<10240xf32, #tpu.memory_space<vmem_shared>>) dst(%arg16 : memref<128xf32, #tpu.memory_space<vmem>>)
    %barrier3A_197 = arith.constant 0 : index
    tpu.barrier barrier_id(%barrier3A_197)
    "tpu.region"() ({
      %run_scoped3A = tpu.sem_alloc : memref<!tpu.dma_semaphore, #tpu.memory_space<semaphore_mem>>
      %dma_start3A_198 = tpu.memref_slice %arg5[%arg0, %mul3A_0] : memref<2x10240xf32, #tpu.memory_space<hbm>> -> memref<1x640xf32, #tpu.memory_space<hbm>>
      %dma_start3A_199 = tpu.memref_squeeze %dma_start3A_198 : memref<1x640xf32, #tpu.memory_space<hbm>> -> memref<640xf32, #tpu.memory_space<hbm>>
      %dma_start3A_200 = tpu.memref_slice %arg11[%mul3A_0] : memref<10240xf32, #tpu.memory_space<vmem_shared>> -> memref<640xf32, #tpu.memory_space<vmem_shared>>
      tpu.enqueue_dma source(%dma_start3A_200 : memref<640xf32, #tpu.memory_space<vmem_shared>>) target(%dma_start3A_199 : memref<640xf32, #tpu.memory_space<hbm>>) target_semaphore(%run_scoped3A : memref<!tpu.dma_semaphore, #tpu.memory_space<semaphore_mem>>)
      %dma_wait3A_201 = tpu.memref_slice %arg5[%arg0, %mul3A_0] : memref<2x10240xf32, #tpu.memory_space<hbm>> -> memref<1x640xf32, #tpu.memory_space<hbm>>
      %dma_wait3A_202 = tpu.memref_squeeze %dma_wait3A_201 : memref<1x640xf32, #tpu.memory_space<hbm>> -> memref<640xf32, #tpu.memory_space<hbm>>
      %dma_wait3A_203 = tpu.memref_slice %arg11[%mul3A_0] : memref<10240xf32, #tpu.memory_space<vmem_shared>> -> memref<640xf32, #tpu.memory_space<vmem_shared>>
      tpu.wait_dma2 semaphore(%run_scoped3A : memref<!tpu.dma_semaphore, #tpu.memory_space<semaphore_mem>>) src(%dma_wait3A_203 : memref<640xf32, #tpu.memory_space<vmem_shared>>) dst(%dma_wait3A_202 : memref<640xf32, #tpu.memory_space<hbm>>)
      tpu.yield
    }) : () -> ()
    return
  }
}

#map = affine_map<(d0, d1) -> (0, 0)>
#map1 = affine_map<(d0, d1) -> (0, 0, 0)>
module attributes {stable_mosaic.version = 14 : i64} {
  func.func @_sc_edge_body(%arg0: i32, %arg1: i32, %arg2: memref<2560x128xi32, #tpu.memory_space<hbm>>, %arg3: memref<2560x128xi32, #tpu.memory_space<hbm>>, %arg4: memref<2x10240x64xf32, #tpu.memory_space<hbm>>, %arg5: memref<10240x64xf32, #tpu.memory_space<hbm>>, %arg6: memref<2x10240x64xf32, #tpu.memory_space<hbm>>, %arg7: memref<10240x64xf32, #tpu.memory_space<vmem_shared>>, %arg8: memref<160x128xi32, #tpu.memory_space<vmem>>, %arg9: memref<160x128xi32, #tpu.memory_space<vmem>>, %arg10: memref<128x64xf32, #tpu.memory_space<vmem>>, %arg11: memref<128x64xf32, #tpu.memory_space<vmem>>, %arg12: memref<!tpu.dma_semaphore, #tpu.memory_space<semaphore_mem>>, %arg13: memref<!tpu.dma_semaphore, #tpu.memory_space<semaphore_mem>>, %arg14: memref<!tpu.dma_semaphore, #tpu.memory_space<semaphore_mem>>, %arg15: memref<!tpu.dma_semaphore, #tpu.memory_space<semaphore_mem>>) attributes {dimension_semantics = [#tpu.dimension_semantics<core_parallel>, #tpu.dimension_semantics<subcore_parallel>], iteration_bounds = array<i64: 2, 16>, scalar_prefetch = 0 : i64, scratch_operands = 9 : i64, tpu.core_type = #tpu.core_type<sc_vector_subcore>, window_params = [{transform_indices = #map}, {transform_indices = #map}, {transform_indices = #map1}, {transform_indices = #map}, {transform_indices = #map1}]} {
    %mul3A = arith.constant 640 : i32
    %mul3A_0 = arith.muli %arg1, %mul3A : i32
    "tpu.region"() ({
      %run_scoped3A = tpu.sem_alloc : memref<!tpu.dma_semaphore, #tpu.memory_space<semaphore_mem>>
      %dma_start3A_54 = arith.constant 0 : i32
      %dma_start3A_55 = tpu.memref_slice %arg7[%mul3A_0, %dma_start3A_54] : memref<10240x64xf32, #tpu.memory_space<vmem_shared>> -> memref<640x64xf32, #tpu.memory_space<vmem_shared>>
      %dma_start3A_56 = arith.constant 0 : i32
      %dma_start3A_57 = tpu.memref_slice %arg5[%mul3A_0, %dma_start3A_56] : memref<10240x64xf32, #tpu.memory_space<hbm>> -> memref<640x64xf32, #tpu.memory_space<hbm>>
      tpu.enqueue_dma source(%dma_start3A_57 : memref<640x64xf32, #tpu.memory_space<hbm>>) target(%dma_start3A_55 : memref<640x64xf32, #tpu.memory_space<vmem_shared>>) target_semaphore(%run_scoped3A : memref<!tpu.dma_semaphore, #tpu.memory_space<semaphore_mem>>)
      %dma_wait3A_58 = arith.constant 0 : i32
      %dma_wait3A_59 = tpu.memref_slice %arg7[%mul3A_0, %dma_wait3A_58] : memref<10240x64xf32, #tpu.memory_space<vmem_shared>> -> memref<640x64xf32, #tpu.memory_space<vmem_shared>>
      %dma_wait3A_60 = arith.constant 0 : i32
      %dma_wait3A_61 = tpu.memref_slice %arg5[%mul3A_0, %dma_wait3A_60] : memref<10240x64xf32, #tpu.memory_space<hbm>> -> memref<640x64xf32, #tpu.memory_space<hbm>>
      tpu.wait_dma2 semaphore(%run_scoped3A : memref<!tpu.dma_semaphore, #tpu.memory_space<semaphore_mem>>) src(%dma_wait3A_61 : memref<640x64xf32, #tpu.memory_space<hbm>>) dst(%dma_wait3A_59 : memref<640x64xf32, #tpu.memory_space<vmem_shared>>)
      tpu.yield
    }) : () -> ()
    %mul3A_1 = arith.constant 160 : i32
    %mul3A_2 = arith.muli %arg1, %mul3A_1 : i32
    "tpu.region"() ({
      %run_scoped3A = tpu.sem_alloc : memref<!tpu.dma_semaphore, #tpu.memory_space<semaphore_mem>>
      %dma_start3A_54 = arith.constant 0 : i32
      %dma_start3A_55 = tpu.memref_slice %arg2[%mul3A_2, %dma_start3A_54] : memref<2560x128xi32, #tpu.memory_space<hbm>> -> memref<160x128xi32, #tpu.memory_space<hbm>>
      %dma_start3A_56 = arith.constant 0 : i32
      %dma_start3A_57 = tpu.memref_slice %arg2[%mul3A_2, %dma_start3A_56] : memref<2560x128xi32, #tpu.memory_space<hbm>> -> memref<160x128xi32, #tpu.memory_space<hbm>>
      tpu.enqueue_dma source(%dma_start3A_57 : memref<160x128xi32, #tpu.memory_space<hbm>>) target(%arg8 : memref<160x128xi32, #tpu.memory_space<vmem>>) target_semaphore(%run_scoped3A : memref<!tpu.dma_semaphore, #tpu.memory_space<semaphore_mem>>)
      %dma_wait3A_58 = arith.constant 0 : i32
      %dma_wait3A_59 = tpu.memref_slice %arg2[%mul3A_2, %dma_wait3A_58] : memref<2560x128xi32, #tpu.memory_space<hbm>> -> memref<160x128xi32, #tpu.memory_space<hbm>>
      %dma_wait3A_60 = arith.constant 0 : i32
      %dma_wait3A_61 = tpu.memref_slice %arg2[%mul3A_2, %dma_wait3A_60] : memref<2560x128xi32, #tpu.memory_space<hbm>> -> memref<160x128xi32, #tpu.memory_space<hbm>>
      tpu.wait_dma2 semaphore(%run_scoped3A : memref<!tpu.dma_semaphore, #tpu.memory_space<semaphore_mem>>) src(%dma_wait3A_61 : memref<160x128xi32, #tpu.memory_space<hbm>>) dst(%arg8 : memref<160x128xi32, #tpu.memory_space<vmem>>)
      tpu.yield
    }) : () -> ()
    %mul3A_3 = arith.constant 160 : i32
    %mul3A_4 = arith.muli %arg1, %mul3A_3 : i32
    "tpu.region"() ({
      %run_scoped3A = tpu.sem_alloc : memref<!tpu.dma_semaphore, #tpu.memory_space<semaphore_mem>>
      %dma_start3A_54 = arith.constant 0 : i32
      %dma_start3A_55 = tpu.memref_slice %arg3[%mul3A_4, %dma_start3A_54] : memref<2560x128xi32, #tpu.memory_space<hbm>> -> memref<160x128xi32, #tpu.memory_space<hbm>>
      %dma_start3A_56 = arith.constant 0 : i32
      %dma_start3A_57 = tpu.memref_slice %arg3[%mul3A_4, %dma_start3A_56] : memref<2560x128xi32, #tpu.memory_space<hbm>> -> memref<160x128xi32, #tpu.memory_space<hbm>>
      tpu.enqueue_dma source(%dma_start3A_57 : memref<160x128xi32, #tpu.memory_space<hbm>>) target(%arg9 : memref<160x128xi32, #tpu.memory_space<vmem>>) target_semaphore(%run_scoped3A : memref<!tpu.dma_semaphore, #tpu.memory_space<semaphore_mem>>)
      %dma_wait3A_58 = arith.constant 0 : i32
      %dma_wait3A_59 = tpu.memref_slice %arg3[%mul3A_4, %dma_wait3A_58] : memref<2560x128xi32, #tpu.memory_space<hbm>> -> memref<160x128xi32, #tpu.memory_space<hbm>>
      %dma_wait3A_60 = arith.constant 0 : i32
      %dma_wait3A_61 = tpu.memref_slice %arg3[%mul3A_4, %dma_wait3A_60] : memref<2560x128xi32, #tpu.memory_space<hbm>> -> memref<160x128xi32, #tpu.memory_space<hbm>>
      tpu.wait_dma2 semaphore(%run_scoped3A : memref<!tpu.dma_semaphore, #tpu.memory_space<semaphore_mem>>) src(%dma_wait3A_61 : memref<160x128xi32, #tpu.memory_space<hbm>>) dst(%arg9 : memref<160x128xi32, #tpu.memory_space<vmem>>)
      tpu.yield
    }) : () -> ()
    %barrier3A = arith.constant 0 : index
    tpu.barrier barrier_id(%barrier3A)
    %dma_start3A = arith.constant 0 : i32
    %dma_start3A_5 = arith.constant 0 : i32
    %dma_start3A_6 = tpu.memref_slice %arg8[%dma_start3A, %dma_start3A_5] : memref<160x128xi32, #tpu.memory_space<vmem>> -> memref<1x128xi32, #tpu.memory_space<vmem>>
    %dma_start3A_7 = tpu.memref_squeeze %dma_start3A_6 : memref<1x128xi32, #tpu.memory_space<vmem>> -> memref<128xi32, #tpu.memory_space<vmem>>
    %dma_start3A_8 = arith.constant 0 : i32
    %dma_start3A_9 = arith.constant 0 : i32
    %dma_start3A_10 = tpu.memref_slice %arg4[%arg0, %dma_start3A_8, %dma_start3A_9] : memref<2x10240x64xf32, #tpu.memory_space<hbm>> -> memref<1x10240x64xf32, #tpu.memory_space<hbm>>
    %dma_start3A_11 = tpu.memref_squeeze %dma_start3A_10 : memref<1x10240x64xf32, #tpu.memory_space<hbm>> -> memref<10240x64xf32, #tpu.memory_space<hbm>>
    %dma_start3A_12 = arith.constant 0 : i32
    %dma_start3A_13 = arith.constant 0 : i32
    %dma_start3A_14 = tpu.memref_slice %dma_start3A_11[%dma_start3A_12, %dma_start3A_13] : memref<10240x64xf32, #tpu.memory_space<hbm>> -> memref<10240x64xf32, #tpu.memory_space<hbm>>
    tpu.enqueue_indirect_dma source(%dma_start3A_14 : memref<10240x64xf32, #tpu.memory_space<hbm>>) target(%arg10 : memref<128x64xf32, #tpu.memory_space<vmem>>) offsets(%dma_start3A_7 : memref<128xi32, #tpu.memory_space<vmem>>) semaphore(%arg12 : memref<!tpu.dma_semaphore, #tpu.memory_space<semaphore_mem>>)
    %dma_start3A_15 = arith.constant 1 : i32
    %dma_start3A_16 = arith.constant 0 : i32
    %dma_start3A_17 = tpu.memref_slice %arg8[%dma_start3A_15, %dma_start3A_16] : memref<160x128xi32, #tpu.memory_space<vmem>> -> memref<1x128xi32, #tpu.memory_space<vmem>>
    %dma_start3A_18 = tpu.memref_squeeze %dma_start3A_17 : memref<1x128xi32, #tpu.memory_space<vmem>> -> memref<128xi32, #tpu.memory_space<vmem>>
    %dma_start3A_19 = arith.constant 0 : i32
    %dma_start3A_20 = arith.constant 0 : i32
    %dma_start3A_21 = tpu.memref_slice %arg4[%arg0, %dma_start3A_19, %dma_start3A_20] : memref<2x10240x64xf32, #tpu.memory_space<hbm>> -> memref<1x10240x64xf32, #tpu.memory_space<hbm>>
    %dma_start3A_22 = tpu.memref_squeeze %dma_start3A_21 : memref<1x10240x64xf32, #tpu.memory_space<hbm>> -> memref<10240x64xf32, #tpu.memory_space<hbm>>
    %dma_start3A_23 = arith.constant 0 : i32
    %dma_start3A_24 = arith.constant 0 : i32
    %dma_start3A_25 = tpu.memref_slice %dma_start3A_22[%dma_start3A_23, %dma_start3A_24] : memref<10240x64xf32, #tpu.memory_space<hbm>> -> memref<10240x64xf32, #tpu.memory_space<hbm>>
    tpu.enqueue_indirect_dma source(%dma_start3A_25 : memref<10240x64xf32, #tpu.memory_space<hbm>>) target(%arg11 : memref<128x64xf32, #tpu.memory_space<vmem>>) offsets(%dma_start3A_18 : memref<128xi32, #tpu.memory_space<vmem>>) semaphore(%arg13 : memref<!tpu.dma_semaphore, #tpu.memory_space<semaphore_mem>>)
    %scan3A = arith.constant 0 : i32
    %scan3A_26 = arith.constant 0 : i32
    %scan3A_27 = arith.constant 80 : i32
    %scan3A_28 = arith.addi %scan3A_26, %scan3A_27 : i32
    %scan3A_29 = arith.constant 1 : i32
    %scan3A_30 = scf.for %scan3A_54 = %scan3A_26 to %scan3A_28 step %scan3A_29 iter_args(%scan3A_55 = %scan3A) -> (i32)  : i32 {
      %mul3A_56 = arith.constant 2 : i32
      %mul3A_57 = arith.muli %mul3A_56, %scan3A_54 : i32
      %add3A = arith.constant 0 : i32
      %add3A_58 = arith.addi %add3A, %mul3A_57 : i32
      %add3A_59 = arith.constant 1 : i32
      %add3A_60 = arith.addi %add3A_58, %add3A_59 : i32
      %dma_wait3A_61 = arith.constant 0 : i32
      %dma_wait3A_62 = tpu.memref_slice %arg8[%add3A_58, %dma_wait3A_61] : memref<160x128xi32, #tpu.memory_space<vmem>> -> memref<1x128xi32, #tpu.memory_space<vmem>>
      %dma_wait3A_63 = tpu.memref_squeeze %dma_wait3A_62 : memref<1x128xi32, #tpu.memory_space<vmem>> -> memref<128xi32, #tpu.memory_space<vmem>>
      %dma_wait3A_64 = arith.constant 0 : i32
      %dma_wait3A_65 = arith.constant 0 : i32
      %dma_wait3A_66 = tpu.memref_slice %arg4[%arg0, %dma_wait3A_64, %dma_wait3A_65] : memref<2x10240x64xf32, #tpu.memory_space<hbm>> -> memref<1x10240x64xf32, #tpu.memory_space<hbm>>
      %dma_wait3A_67 = tpu.memref_squeeze %dma_wait3A_66 : memref<1x10240x64xf32, #tpu.memory_space<hbm>> -> memref<10240x64xf32, #tpu.memory_space<hbm>>
      %dma_wait3A_68 = arith.constant 0 : i32
      %dma_wait3A_69 = arith.constant 0 : i32
      %dma_wait3A_70 = tpu.memref_slice %dma_wait3A_67[%dma_wait3A_68, %dma_wait3A_69] : memref<10240x64xf32, #tpu.memory_space<hbm>> -> memref<10240x64xf32, #tpu.memory_space<hbm>>
      tpu.wait_indirect_dma semaphore(%arg12 : memref<!tpu.dma_semaphore, #tpu.memory_space<semaphore_mem>>) src(%dma_wait3A_70 : memref<10240x64xf32, #tpu.memory_space<hbm>>) dst(%arg10 : memref<128x64xf32, #tpu.memory_space<vmem>>)
      %dma_start3A_71 = arith.constant 0 : i32
      %dma_start3A_72 = tpu.memref_slice %arg9[%add3A_58, %dma_start3A_71] : memref<160x128xi32, #tpu.memory_space<vmem>> -> memref<1x128xi32, #tpu.memory_space<vmem>>
      %dma_start3A_73 = tpu.memref_squeeze %dma_start3A_72 : memref<1x128xi32, #tpu.memory_space<vmem>> -> memref<128xi32, #tpu.memory_space<vmem>>
      %dma_start3A_74 = arith.constant 0 : i32
      %dma_start3A_75 = arith.constant 0 : i32
      %dma_start3A_76 = tpu.memref_slice %arg7[%dma_start3A_74, %dma_start3A_75] : memref<10240x64xf32, #tpu.memory_space<vmem_shared>> -> memref<10240x64xf32, #tpu.memory_space<vmem_shared>>
      tpu.enqueue_indirect_dma source(%arg10 : memref<128x64xf32, #tpu.memory_space<vmem>>) target(%dma_start3A_76 : memref<10240x64xf32, #tpu.memory_space<vmem_shared>>) offsets(%dma_start3A_73 : memref<128xi32, #tpu.memory_space<vmem>>) semaphore(%arg14 : memref<!tpu.dma_semaphore, #tpu.memory_space<semaphore_mem>>) {add = true}
      %dma_wait3A_77 = arith.constant 0 : i32
      %dma_wait3A_78 = tpu.memref_slice %arg8[%add3A_60, %dma_wait3A_77] : memref<160x128xi32, #tpu.memory_space<vmem>> -> memref<1x128xi32, #tpu.memory_space<vmem>>
      %dma_wait3A_79 = tpu.memref_squeeze %dma_wait3A_78 : memref<1x128xi32, #tpu.memory_space<vmem>> -> memref<128xi32, #tpu.memory_space<vmem>>
      %dma_wait3A_80 = arith.constant 0 : i32
      %dma_wait3A_81 = arith.constant 0 : i32
      %dma_wait3A_82 = tpu.memref_slice %arg4[%arg0, %dma_wait3A_80, %dma_wait3A_81] : memref<2x10240x64xf32, #tpu.memory_space<hbm>> -> memref<1x10240x64xf32, #tpu.memory_space<hbm>>
      %dma_wait3A_83 = tpu.memref_squeeze %dma_wait3A_82 : memref<1x10240x64xf32, #tpu.memory_space<hbm>> -> memref<10240x64xf32, #tpu.memory_space<hbm>>
      %dma_wait3A_84 = arith.constant 0 : i32
      %dma_wait3A_85 = arith.constant 0 : i32
      %dma_wait3A_86 = tpu.memref_slice %dma_wait3A_83[%dma_wait3A_84, %dma_wait3A_85] : memref<10240x64xf32, #tpu.memory_space<hbm>> -> memref<10240x64xf32, #tpu.memory_space<hbm>>
      tpu.wait_indirect_dma semaphore(%arg13 : memref<!tpu.dma_semaphore, #tpu.memory_space<semaphore_mem>>) src(%dma_wait3A_86 : memref<10240x64xf32, #tpu.memory_space<hbm>>) dst(%arg11 : memref<128x64xf32, #tpu.memory_space<vmem>>)
      %dma_start3A_87 = arith.constant 0 : i32
      %dma_start3A_88 = tpu.memref_slice %arg9[%add3A_60, %dma_start3A_87] : memref<160x128xi32, #tpu.memory_space<vmem>> -> memref<1x128xi32, #tpu.memory_space<vmem>>
      %dma_start3A_89 = tpu.memref_squeeze %dma_start3A_88 : memref<1x128xi32, #tpu.memory_space<vmem>> -> memref<128xi32, #tpu.memory_space<vmem>>
      %dma_start3A_90 = arith.constant 0 : i32
      %dma_start3A_91 = arith.constant 0 : i32
      %dma_start3A_92 = tpu.memref_slice %arg7[%dma_start3A_90, %dma_start3A_91] : memref<10240x64xf32, #tpu.memory_space<vmem_shared>> -> memref<10240x64xf32, #tpu.memory_space<vmem_shared>>
      tpu.enqueue_indirect_dma source(%arg11 : memref<128x64xf32, #tpu.memory_space<vmem>>) target(%dma_start3A_92 : memref<10240x64xf32, #tpu.memory_space<vmem_shared>>) offsets(%dma_start3A_89 : memref<128xi32, #tpu.memory_space<vmem>>) semaphore(%arg15 : memref<!tpu.dma_semaphore, #tpu.memory_space<semaphore_mem>>) {add = true}
      %dma_wait3A_93 = arith.constant 0 : i32
      %dma_wait3A_94 = tpu.memref_slice %arg9[%add3A_58, %dma_wait3A_93] : memref<160x128xi32, #tpu.memory_space<vmem>> -> memref<1x128xi32, #tpu.memory_space<vmem>>
      %dma_wait3A_95 = tpu.memref_squeeze %dma_wait3A_94 : memref<1x128xi32, #tpu.memory_space<vmem>> -> memref<128xi32, #tpu.memory_space<vmem>>
      %dma_wait3A_96 = arith.constant 0 : i32
      %dma_wait3A_97 = arith.constant 0 : i32
      %dma_wait3A_98 = tpu.memref_slice %arg7[%dma_wait3A_96, %dma_wait3A_97] : memref<10240x64xf32, #tpu.memory_space<vmem_shared>> -> memref<10240x64xf32, #tpu.memory_space<vmem_shared>>
      tpu.wait_indirect_dma semaphore(%arg14 : memref<!tpu.dma_semaphore, #tpu.memory_space<semaphore_mem>>) src(%arg10 : memref<128x64xf32, #tpu.memory_space<vmem>>) dst(%dma_wait3A_98 : memref<10240x64xf32, #tpu.memory_space<vmem_shared>>)
      %add3A_99 = arith.constant 2 : i32
      %add3A_100 = arith.addi %add3A_58, %add3A_99 : i32
      %min3A = arith.constant 158 : i32
      %min3A_101 = arith.minsi %add3A_100, %min3A : i32
      %dma_start3A_102 = arith.constant 0 : i32
      %dma_start3A_103 = tpu.memref_slice %arg8[%min3A_101, %dma_start3A_102] : memref<160x128xi32, #tpu.memory_space<vmem>> -> memref<1x128xi32, #tpu.memory_space<vmem>>
      %dma_start3A_104 = tpu.memref_squeeze %dma_start3A_103 : memref<1x128xi32, #tpu.memory_space<vmem>> -> memref<128xi32, #tpu.memory_space<vmem>>
      %dma_start3A_105 = arith.constant 0 : i32
      %dma_start3A_106 = arith.constant 0 : i32
      %dma_start3A_107 = tpu.memref_slice %arg4[%arg0, %dma_start3A_105, %dma_start3A_106] : memref<2x10240x64xf32, #tpu.memory_space<hbm>> -> memref<1x10240x64xf32, #tpu.memory_space<hbm>>
      %dma_start3A_108 = tpu.memref_squeeze %dma_start3A_107 : memref<1x10240x64xf32, #tpu.memory_space<hbm>> -> memref<10240x64xf32, #tpu.memory_space<hbm>>
      %dma_start3A_109 = arith.constant 0 : i32
      %dma_start3A_110 = arith.constant 0 : i32
      %dma_start3A_111 = tpu.memref_slice %dma_start3A_108[%dma_start3A_109, %dma_start3A_110] : memref<10240x64xf32, #tpu.memory_space<hbm>> -> memref<10240x64xf32, #tpu.memory_space<hbm>>
      tpu.enqueue_indirect_dma source(%dma_start3A_111 : memref<10240x64xf32, #tpu.memory_space<hbm>>) target(%arg10 : memref<128x64xf32, #tpu.memory_space<vmem>>) offsets(%dma_start3A_104 : memref<128xi32, #tpu.memory_space<vmem>>) semaphore(%arg12 : memref<!tpu.dma_semaphore, #tpu.memory_space<semaphore_mem>>)
      %dma_wait3A_112 = arith.constant 0 : i32
      %dma_wait3A_113 = tpu.memref_slice %arg9[%add3A_60, %dma_wait3A_112] : memref<160x128xi32, #tpu.memory_space<vmem>> -> memref<1x128xi32, #tpu.memory_space<vmem>>
      %dma_wait3A_114 = tpu.memref_squeeze %dma_wait3A_113 : memref<1x128xi32, #tpu.memory_space<vmem>> -> memref<128xi32, #tpu.memory_space<vmem>>
      %dma_wait3A_115 = arith.constant 0 : i32
      %dma_wait3A_116 = arith.constant 0 : i32
      %dma_wait3A_117 = tpu.memref_slice %arg7[%dma_wait3A_115, %dma_wait3A_116] : memref<10240x64xf32, #tpu.memory_space<vmem_shared>> -> memref<10240x64xf32, #tpu.memory_space<vmem_shared>>
      tpu.wait_indirect_dma semaphore(%arg15 : memref<!tpu.dma_semaphore, #tpu.memory_space<semaphore_mem>>) src(%arg11 : memref<128x64xf32, #tpu.memory_space<vmem>>) dst(%dma_wait3A_117 : memref<10240x64xf32, #tpu.memory_space<vmem_shared>>)
      %add3A_118 = arith.constant 2 : i32
      %add3A_119 = arith.addi %add3A_60, %add3A_118 : i32
      %min3A_120 = arith.constant 159 : i32
      %min3A_121 = arith.minsi %add3A_119, %min3A_120 : i32
      %dma_start3A_122 = arith.constant 0 : i32
      %dma_start3A_123 = tpu.memref_slice %arg8[%min3A_121, %dma_start3A_122] : memref<160x128xi32, #tpu.memory_space<vmem>> -> memref<1x128xi32, #tpu.memory_space<vmem>>
      %dma_start3A_124 = tpu.memref_squeeze %dma_start3A_123 : memref<1x128xi32, #tpu.memory_space<vmem>> -> memref<128xi32, #tpu.memory_space<vmem>>
      %dma_start3A_125 = arith.constant 0 : i32
      %dma_start3A_126 = arith.constant 0 : i32
      %dma_start3A_127 = tpu.memref_slice %arg4[%arg0, %dma_start3A_125, %dma_start3A_126] : memref<2x10240x64xf32, #tpu.memory_space<hbm>> -> memref<1x10240x64xf32, #tpu.memory_space<hbm>>
      %dma_start3A_128 = tpu.memref_squeeze %dma_start3A_127 : memref<1x10240x64xf32, #tpu.memory_space<hbm>> -> memref<10240x64xf32, #tpu.memory_space<hbm>>
      %dma_start3A_129 = arith.constant 0 : i32
      %dma_start3A_130 = arith.constant 0 : i32
      %dma_start3A_131 = tpu.memref_slice %dma_start3A_128[%dma_start3A_129, %dma_start3A_130] : memref<10240x64xf32, #tpu.memory_space<hbm>> -> memref<10240x64xf32, #tpu.memory_space<hbm>>
      tpu.enqueue_indirect_dma source(%dma_start3A_131 : memref<10240x64xf32, #tpu.memory_space<hbm>>) target(%arg11 : memref<128x64xf32, #tpu.memory_space<vmem>>) offsets(%dma_start3A_124 : memref<128xi32, #tpu.memory_space<vmem>>) semaphore(%arg13 : memref<!tpu.dma_semaphore, #tpu.memory_space<semaphore_mem>>)
      %scan3A_132 = arith.constant 0 : i32
      scf.yield %scan3A_132 : i32
    }
    %scan3A_31 = arith.constant 80 : i32
    %dma_wait3A = arith.constant 158 : i32
    %dma_wait3A_32 = arith.constant 0 : i32
    %dma_wait3A_33 = tpu.memref_slice %arg8[%dma_wait3A, %dma_wait3A_32] : memref<160x128xi32, #tpu.memory_space<vmem>> -> memref<1x128xi32, #tpu.memory_space<vmem>>
    %dma_wait3A_34 = tpu.memref_squeeze %dma_wait3A_33 : memref<1x128xi32, #tpu.memory_space<vmem>> -> memref<128xi32, #tpu.memory_space<vmem>>
    %dma_wait3A_35 = arith.constant 0 : i32
    %dma_wait3A_36 = arith.constant 0 : i32
    %dma_wait3A_37 = tpu.memref_slice %arg4[%arg0, %dma_wait3A_35, %dma_wait3A_36] : memref<2x10240x64xf32, #tpu.memory_space<hbm>> -> memref<1x10240x64xf32, #tpu.memory_space<hbm>>
    %dma_wait3A_38 = tpu.memref_squeeze %dma_wait3A_37 : memref<1x10240x64xf32, #tpu.memory_space<hbm>> -> memref<10240x64xf32, #tpu.memory_space<hbm>>
    %dma_wait3A_39 = arith.constant 0 : i32
    %dma_wait3A_40 = arith.constant 0 : i32
    %dma_wait3A_41 = tpu.memref_slice %dma_wait3A_38[%dma_wait3A_39, %dma_wait3A_40] : memref<10240x64xf32, #tpu.memory_space<hbm>> -> memref<10240x64xf32, #tpu.memory_space<hbm>>
    tpu.wait_indirect_dma semaphore(%arg12 : memref<!tpu.dma_semaphore, #tpu.memory_space<semaphore_mem>>) src(%dma_wait3A_41 : memref<10240x64xf32, #tpu.memory_space<hbm>>) dst(%arg10 : memref<128x64xf32, #tpu.memory_space<vmem>>)
    %dma_wait3A_42 = arith.constant 159 : i32
    %dma_wait3A_43 = arith.constant 0 : i32
    %dma_wait3A_44 = tpu.memref_slice %arg8[%dma_wait3A_42, %dma_wait3A_43] : memref<160x128xi32, #tpu.memory_space<vmem>> -> memref<1x128xi32, #tpu.memory_space<vmem>>
    %dma_wait3A_45 = tpu.memref_squeeze %dma_wait3A_44 : memref<1x128xi32, #tpu.memory_space<vmem>> -> memref<128xi32, #tpu.memory_space<vmem>>
    %dma_wait3A_46 = arith.constant 0 : i32
    %dma_wait3A_47 = arith.constant 0 : i32
    %dma_wait3A_48 = tpu.memref_slice %arg4[%arg0, %dma_wait3A_46, %dma_wait3A_47] : memref<2x10240x64xf32, #tpu.memory_space<hbm>> -> memref<1x10240x64xf32, #tpu.memory_space<hbm>>
    %dma_wait3A_49 = tpu.memref_squeeze %dma_wait3A_48 : memref<1x10240x64xf32, #tpu.memory_space<hbm>> -> memref<10240x64xf32, #tpu.memory_space<hbm>>
    %dma_wait3A_50 = arith.constant 0 : i32
    %dma_wait3A_51 = arith.constant 0 : i32
    %dma_wait3A_52 = tpu.memref_slice %dma_wait3A_49[%dma_wait3A_50, %dma_wait3A_51] : memref<10240x64xf32, #tpu.memory_space<hbm>> -> memref<10240x64xf32, #tpu.memory_space<hbm>>
    tpu.wait_indirect_dma semaphore(%arg13 : memref<!tpu.dma_semaphore, #tpu.memory_space<semaphore_mem>>) src(%dma_wait3A_52 : memref<10240x64xf32, #tpu.memory_space<hbm>>) dst(%arg11 : memref<128x64xf32, #tpu.memory_space<vmem>>)
    %barrier3A_53 = arith.constant 0 : index
    tpu.barrier barrier_id(%barrier3A_53)
    "tpu.region"() ({
      %run_scoped3A = tpu.sem_alloc : memref<!tpu.dma_semaphore, #tpu.memory_space<semaphore_mem>>
      %dma_start3A_54 = arith.constant 0 : i32
      %dma_start3A_55 = tpu.memref_slice %arg6[%arg0, %mul3A_0, %dma_start3A_54] : memref<2x10240x64xf32, #tpu.memory_space<hbm>> -> memref<1x640x64xf32, #tpu.memory_space<hbm>>
      %dma_start3A_56 = tpu.memref_squeeze %dma_start3A_55 : memref<1x640x64xf32, #tpu.memory_space<hbm>> -> memref<640x64xf32, #tpu.memory_space<hbm>>
      %dma_start3A_57 = arith.constant 0 : i32
      %dma_start3A_58 = tpu.memref_slice %arg7[%mul3A_0, %dma_start3A_57] : memref<10240x64xf32, #tpu.memory_space<vmem_shared>> -> memref<640x64xf32, #tpu.memory_space<vmem_shared>>
      tpu.enqueue_dma source(%dma_start3A_58 : memref<640x64xf32, #tpu.memory_space<vmem_shared>>) target(%dma_start3A_56 : memref<640x64xf32, #tpu.memory_space<hbm>>) target_semaphore(%run_scoped3A : memref<!tpu.dma_semaphore, #tpu.memory_space<semaphore_mem>>)
      %dma_wait3A_59 = arith.constant 0 : i32
      %dma_wait3A_60 = tpu.memref_slice %arg6[%arg0, %mul3A_0, %dma_wait3A_59] : memref<2x10240x64xf32, #tpu.memory_space<hbm>> -> memref<1x640x64xf32, #tpu.memory_space<hbm>>
      %dma_wait3A_61 = tpu.memref_squeeze %dma_wait3A_60 : memref<1x640x64xf32, #tpu.memory_space<hbm>> -> memref<640x64xf32, #tpu.memory_space<hbm>>
      %dma_wait3A_62 = arith.constant 0 : i32
      %dma_wait3A_63 = tpu.memref_slice %arg7[%mul3A_0, %dma_wait3A_62] : memref<10240x64xf32, #tpu.memory_space<vmem_shared>> -> memref<640x64xf32, #tpu.memory_space<vmem_shared>>
      tpu.wait_dma2 semaphore(%run_scoped3A : memref<!tpu.dma_semaphore, #tpu.memory_space<semaphore_mem>>) src(%dma_wait3A_63 : memref<640x64xf32, #tpu.memory_space<vmem_shared>>) dst(%dma_wait3A_61 : memref<640x64xf32, #tpu.memory_space<hbm>>)
      tpu.yield
    }) : () -> ()
    return
  }
}

module attributes {stable_mosaic.version = 14 : i64} {
  func.func @_tc_expand_body(%arg0: memref<10240x1xf32, #tpu.memory_space<vmem>>, %arg1: memref<10240x1xf32, #tpu.memory_space<vmem>>, %arg2: memref<10240x1xf32, #tpu.memory_space<vmem>>, %arg3: memref<10240x1xf32, #tpu.memory_space<vmem>>, %arg4: memref<1x128xf32, #tpu.memory_space<vmem>>, %arg5: memref<1x128xf32, #tpu.memory_space<vmem>>, %arg6: memref<2x10240x64xf32, #tpu.memory_space<vmem>>) attributes {dimension_semantics = [], scalar_prefetch = 0 : i64, scratch_operands = 0 : i64, tpu.core_type = #tpu.core_type<tc>} {
    %get3A = arith.constant 0 : index
    %get3A_0 = arith.constant 0 : index
    %get3A_1 = vector.load %arg0[%get3A, %get3A_0] : memref<10240x1xf32, #tpu.memory_space<vmem>>, vector<10240x1xf32>
    %get3A_2 = arith.constant 0 : index
    %get3A_3 = arith.constant 0 : index
    %get3A_4 = vector.load %arg1[%get3A_2, %get3A_3] : memref<10240x1xf32, #tpu.memory_space<vmem>>, vector<10240x1xf32>
    %add3A = arith.addf %get3A_1, %get3A_4 : vector<10240x1xf32>
    %get3A_5 = arith.constant 0 : index
    %get3A_6 = arith.constant 0 : index
    %get3A_7 = vector.load %arg2[%get3A_5, %get3A_6] : memref<10240x1xf32, #tpu.memory_space<vmem>>, vector<10240x1xf32>
    %mul3A = arith.mulf %add3A, %get3A_7 : vector<10240x1xf32>
    %get3A_8 = arith.constant 0 : index
    %get3A_9 = arith.constant 0 : index
    %get3A_10 = vector.load %arg3[%get3A_8, %get3A_9] : memref<10240x1xf32, #tpu.memory_space<vmem>>, vector<10240x1xf32>
    %get3A_11 = arith.constant 0 : index
    %get3A_12 = arith.constant 0 : index
    %get3A_13 = vector.load %arg4[%get3A_11, %get3A_12] : memref<1x128xf32, #tpu.memory_space<vmem>>, vector<1x128xf32>
    %mul3A_14 = vector.broadcast %mul3A : vector<10240x1xf32> to vector<10240x128xf32>
    %mul3A_15 = vector.broadcast %get3A_13 : vector<1x128xf32> to vector<10240x128xf32>
    %mul3A_16 = arith.mulf %mul3A_14, %mul3A_15 : vector<10240x128xf32>
    %get3A_17 = arith.constant 0 : index
    %get3A_18 = arith.constant 0 : index
    %get3A_19 = vector.load %arg5[%get3A_17, %get3A_18] : memref<1x128xf32, #tpu.memory_space<vmem>>, vector<1x128xf32>
    %add3A_20 = vector.broadcast %get3A_19 : vector<1x128xf32> to vector<10240x128xf32>
    %add3A_21 = arith.addf %mul3A_16, %add3A_20 : vector<10240x128xf32>
    %max3A = arith.constant 0.000000e+00 : f32
    %max3A_22 = vector.broadcast %max3A : f32 to vector<10240x128xf32>
    %max3A_23 = arith.maximumf %add3A_21, %max3A_22 : vector<10240x128xf32>
    %mul3A_24 = vector.broadcast %get3A_10 : vector<10240x1xf32> to vector<10240x128xf32>
    %mul3A_25 = arith.mulf %mul3A_24, %max3A_23 : vector<10240x128xf32>
    %slice3A = vector.extract_strided_slice %mul3A_25 {offsets = [0, 0], sizes = [10240, 64], strides = [1, 1]} : vector<10240x128xf32> to vector<10240x64xf32>
    %swap3A = arith.constant 0 : index
    %swap3A_26 = arith.constant 0 : index
    %swap3A_27 = arith.constant 0 : index
    %swap3A_28 = vector.load %arg6[%swap3A, %swap3A_26, %swap3A_27] : memref<2x10240x64xf32, #tpu.memory_space<vmem>>, vector<1x10240x64xf32>
    %swap3A_29 = vector.shape_cast %swap3A_28 : vector<1x10240x64xf32> to vector<10240x64xf32>
    %swap3A_30 = vector.shape_cast %slice3A : vector<10240x64xf32> to vector<1x10240x64xf32>
    tpu.vector_store %arg6[%swap3A, %swap3A_26, %swap3A_27], %swap3A_30 {strides = array<i32>} : memref<2x10240x64xf32, #tpu.memory_space<vmem>>, vector<1x10240x64xf32>,
    %slice3A_31 = vector.extract_strided_slice %mul3A_25 {offsets = [0, 64], sizes = [10240, 64], strides = [1, 1]} : vector<10240x128xf32> to vector<10240x64xf32>
    %swap3A_32 = arith.constant 1 : index
    %swap3A_33 = arith.constant 0 : index
    %swap3A_34 = arith.constant 0 : index
    %swap3A_35 = vector.load %arg6[%swap3A_32, %swap3A_33, %swap3A_34] : memref<2x10240x64xf32, #tpu.memory_space<vmem>>, vector<1x10240x64xf32>
    %swap3A_36 = vector.shape_cast %swap3A_35 : vector<1x10240x64xf32> to vector<10240x64xf32>
    %swap3A_37 = vector.shape_cast %slice3A_31 : vector<10240x64xf32> to vector<1x10240x64xf32>
    tpu.vector_store %arg6[%swap3A_32, %swap3A_33, %swap3A_34], %swap3A_37 {strides = array<i32>} : memref<2x10240x64xf32, #tpu.memory_space<vmem>>, vector<1x10240x64xf32>,
    return
  }
}

module attributes {stable_mosaic.version = 14 : i64} {
  func.func @_tc_final_body(%arg0: memref<2x10240x64xf32, #tpu.memory_space<vmem>>, %arg1: memref<10240x1xf32, #tpu.memory_space<vmem>>, %arg2: memref<1x10240xi32, #tpu.memory_space<vmem>>, %arg3: memref<128x128xf32, #tpu.memory_space<vmem>>, %arg4: memref<1x128xf32, #tpu.memory_space<vmem>>, %arg5: memref<128x10xf32, #tpu.memory_space<vmem>>, %arg6: memref<1x10xf32, #tpu.memory_space<vmem>>, %arg7: memref<128x10xf32, #tpu.memory_space<vmem>>) attributes {dimension_semantics = [], scalar_prefetch = 0 : i64, scratch_operands = 0 : i64, tpu.core_type = #tpu.core_type<tc>} {
    %get3A = arith.constant 0 : index
    %get3A_0 = arith.constant 0 : index
    %get3A_1 = arith.constant 0 : index
    %get3A_2 = vector.load %arg0[%get3A, %get3A_0, %get3A_1] : memref<2x10240x64xf32, #tpu.memory_space<vmem>>, vector<1x10240x64xf32>
    %get3A_3 = vector.shape_cast %get3A_2 : vector<1x10240x64xf32> to vector<10240x64xf32>
    %get3A_4 = arith.constant 1 : index
    %get3A_5 = arith.constant 0 : index
    %get3A_6 = arith.constant 0 : index
    %get3A_7 = vector.load %arg0[%get3A_4, %get3A_5, %get3A_6] : memref<2x10240x64xf32, #tpu.memory_space<vmem>>, vector<1x10240x64xf32>
    %get3A_8 = vector.shape_cast %get3A_7 : vector<1x10240x64xf32> to vector<10240x64xf32>
    %concatenate3A = tpu.concatenate %get3A_3, %get3A_8 in 1 : vector<10240x64xf32>, vector<10240x64xf32> -> vector<10240x128xf32>
    %get3A_9 = arith.constant 0 : index
    %get3A_10 = arith.constant 0 : index
    %get3A_11 = vector.load %arg1[%get3A_9, %get3A_10] : memref<10240x1xf32, #tpu.memory_space<vmem>>, vector<10240x1xf32>
    %mul3A = vector.broadcast %get3A_11 : vector<10240x1xf32> to vector<10240x128xf32>
    %mul3A_12 = arith.mulf %concatenate3A, %mul3A : vector<10240x128xf32>
    %get3A_13 = arith.constant 0 : index
    %get3A_14 = arith.constant 0 : index
    %get3A_15 = vector.load %arg3[%get3A_13, %get3A_14] : memref<128x128xf32, #tpu.memory_space<vmem>>, vector<128x128xf32>
    %dot_general3A = arith.constant dense<0.000000e+00> : vector<10240x128xf32>
    %dot_general3A_16 = tpu.matmul %mul3A_12, %get3A_15, %dot_general3A {dimension_numbers = #tpu.dot_dimension_numbers<[1], [0], [0], [1], [0, 0, 1, 1], [], []>, transpose_lhs_hint = false} : vector<10240x128xf32>, vector<128x128xf32>, vector<10240x128xf32> -> vector<10240x128xf32>
    %get3A_17 = arith.constant 0 : index
    %get3A_18 = arith.constant 0 : index
    %get3A_19 = vector.load %arg4[%get3A_17, %get3A_18] : memref<1x128xf32, #tpu.memory_space<vmem>>, vector<1x128xf32>
    %add3A = vector.broadcast %get3A_19 : vector<1x128xf32> to vector<10240x128xf32>
    %add3A_20 = arith.addf %dot_general3A_16, %add3A : vector<10240x128xf32>
    %max3A = arith.constant 0.000000e+00 : f32
    %max3A_21 = vector.broadcast %max3A : f32 to vector<10240x128xf32>
    %max3A_22 = arith.maximumf %add3A_20, %max3A_21 : vector<10240x128xf32>
    %get3A_23 = arith.constant 0 : index
    %get3A_24 = arith.constant 0 : index
    %get3A_25 = vector.load %arg2[%get3A_23, %get3A_24] : memref<1x10240xi32, #tpu.memory_space<vmem>>, vector<1x10240xi32>
    %iota3A = tpu.iota {dimensions = array<i32: 0>} : vector<128x10240xi32>
    %eq3A = vector.broadcast %get3A_25 : vector<1x10240xi32> to vector<128x10240xi32>
    %eq3A_26 = arith.cmpi eq, %iota3A, %eq3A : vector<128x10240xi32>
    %convert_element_type3A = arith.extui %eq3A_26 : vector<128x10240xi1> to vector<128x10240xi32>
    %convert_element_type3A_27 = arith.sitofp %convert_element_type3A : vector<128x10240xi32> to vector<128x10240xf32>
    %reduce_sum3A = arith.constant dense<0.000000e+00> : vector<128xf32>
    %reduce_sum3A_28 = vector.multi_reduction <add>, %convert_element_type3A_27, %reduce_sum3A [1] : vector<128x10240xf32> to vector<128xf32>
    %broadcast_in_dim3A = vector.shape_cast %reduce_sum3A_28 : vector<128xf32> to vector<128x1xf32>
    %dot_general3A_29 = arith.constant dense<0.000000e+00> : vector<128x128xf32>
    %dot_general3A_30 = tpu.matmul %convert_element_type3A_27, %max3A_22, %dot_general3A_29 {dimension_numbers = #tpu.dot_dimension_numbers<[1], [0], [0], [1], [0, 0, 1, 1], [], []>, transpose_lhs_hint = false} : vector<128x10240xf32>, vector<10240x128xf32>, vector<128x128xf32> -> vector<128x128xf32>
    %max3A_31 = arith.constant 1.000000e+00 : f32
    %max3A_32 = vector.broadcast %max3A_31 : f32 to vector<128x1xf32>
    %max3A_33 = arith.maximumf %broadcast_in_dim3A, %max3A_32 : vector<128x1xf32>
    %div3A = vector.broadcast %max3A_33 : vector<128x1xf32> to vector<128x128xf32>
    %div3A_34 = arith.divf %dot_general3A_30, %div3A : vector<128x128xf32>
    %get3A_35 = arith.constant 0 : index
    %get3A_36 = arith.constant 0 : index
    %get3A_37 = vector.load %arg5[%get3A_35, %get3A_36] : memref<128x10xf32, #tpu.memory_space<vmem>>, vector<128x10xf32>
    %dot_general3A_38 = arith.constant dense<0.000000e+00> : vector<128x10xf32>
    %dot_general3A_39 = tpu.matmul %div3A_34, %get3A_37, %dot_general3A_38 {dimension_numbers = #tpu.dot_dimension_numbers<[1], [0], [0], [1], [0, 0, 1, 1], [], []>, transpose_lhs_hint = false} : vector<128x128xf32>, vector<128x10xf32>, vector<128x10xf32> -> vector<128x10xf32>
    %get3A_40 = arith.constant 0 : index
    %get3A_41 = arith.constant 0 : index
    %get3A_42 = vector.load %arg6[%get3A_40, %get3A_41] : memref<1x10xf32, #tpu.memory_space<vmem>>, vector<1x10xf32>
    %add3A_43 = vector.broadcast %get3A_42 : vector<1x10xf32> to vector<128x10xf32>
    %add3A_44 = arith.addf %dot_general3A_39, %add3A_43 : vector<128x10xf32>
    %swap3A = arith.constant 0 : index
    %swap3A_45 = arith.constant 0 : index
    %swap3A_46 = vector.load %arg7[%swap3A, %swap3A_45] : memref<128x10xf32, #tpu.memory_space<vmem>>, vector<128x10xf32>
    tpu.vector_store %arg7[%swap3A, %swap3A_45], %add3A_44 {strides = array<i32>} : memref<128x10xf32, #tpu.memory_space<vmem>>, vector<128x10xf32>,
    return
  }
}

</mosaic_0001>

<sc_bundles>
// kernel: kernel.6.cloned.1.call-start
scs
__scs_entry_jumppad:
0x0: {  	(pc) =	sbr.rel $0x88, $3  }
0x1: {  	(tag) =	ssettag $0x0;
	lr =	simm.s32 $0x1  }
0x2: {  	[smem:$0x3F99] =	sst lr;
	_ =	strace $0xD0000000  }
0x3: {  	_ = 	snop  }
0x4: {  	_ = 	snop  }
0x5: {  	_ = 	snop  }
0x6: {  	_ = 	snop  }
0x7: {  	_ = 	snop  }
__scs_overlays_trampoline_lowered:
0x8: {  	[smem:$0x3FA8] =	sst s0  }
0x9: {  	[smem:$0x3FA9] =	sst s1  }
0xa: {  	[smem:$0x3FAA] =	sst s2  }
0xb: {  	[smem:$0x3FAB] =	sst s3  }
0xc: {  	[smem:$0x3FAC] =	sst s4  }
0xd: {  	[smem:$0x3FAD] =	sst s5  }
0xe: {  	[smem:$0x3FAE] =	sst s6  }
0xf: {  	[smem:$0x3FAF] =	sst s7  }
0x10: {  	[smem:$0x3FB0] =	sst s8  }
0x11: {  	[smem:$0x3FB1] =	sst s9;
	s0 =	simm.s32 @!p0 $0x0  }
0x12: {  	s1 =	sld [smem:$0x3F97];
	s0 =	simm.s32 @p0 $0x1  }
0x13: {  	[smem:$0x3FB2] =	sst s0;
	s0 =	simm.s32 @!p1 $0x0  }
0x14: {  	s2 =	sld [smem:$0x3F96];
	s0 =	simm.s32 @p1 $0x1  }
0x15: {  	[smem:$0x3FB3] =	sst s0;
	s0 =	simm.s32 @!p2 $0x0  }
0x16: {  	s3 =	sld [smem:$0x3FDB];
	s0 =	simm.s32 @p2 $0x1  }
0x17: {  	s4 =	simm.s32 $0x1BF5;
	[smem:$0x3FB5] =	sst s0  }
0x18: {  	s0 =	sld [smem:$0x3F98];
	_ =	swait.ge [sflag:s4], $0x0  }
0x19: {  	s7 =	sld [smem:$0x3F99]  }
0x1a: {  	s8 =	sadd.s32 $0xFFFFE003, lr  }
0x1b: {  	s9 =	sadd.s32 $0xFFFFFEF7, lr;
	s5 =	simm.s32 $0xFFFFFFFF;
	p2 =	slt.u32 s8, $0xFFFFF086  }
0x1c: {  	p1 =	slt.u32 s9, $0xF7A;
	s5 =	simm.s32 @!p2 $0x0  }
0x1d: {  	s5 =	simm.s32 @p1 $0x1;
	p0 =	seq.s32 s7, s2  }
0x1e: {  	s7 =	smul.u32 @!p0 $0xF7A, s2;
	p2 =	seq.s32 @!p0 s5, $0x0  }
0x1f: {  	s9 =	smul.u32 $0xF7A, s1;
	s8 =	simm.s32 @!p0 $0x1BF5;
	p2 =	por !p2, p0  }
0x20: {  	[sflag:s8] =	ssyncset.s32 @!p0 $0xFFFFF086;
	s6 =	sadd.s32 @!p0 s3, s7;
	s7 =	simm.s32 @!p0 $0x108  }
0x21: {  	s3 =	sadd.s32 s3, s9;
	s6 =	sadd.s32 @!p0 $0x88, s6;
	s7 =	simm.s32 @p2 $0x1082  }
0x22: {  	[simem:s7], [sflag:s8] =	dma.local @!p0 [hbm:s6], $0xF7A  }
0x23: {  	s9 =	sor.u32 $0xD0000000, s2;
	s6 =	simm.s32 $0x108;
	_ =	swait.ge @!p0 [sflag:s8], $0x0  }
0x24: {  	s3 =	sadd.s32 $0x88, s3;
	s6 =	simm.s32 @!p1 $0x1082;
	[sflag:s4] =	ssyncset.s32 $0xFFFFF086  }
0x25: {  	[simem:s6], [sflag:s4] =	dma.local [hbm:s3], $0xF7A  }
0x26: {  	[smem:$0x3F99] =	sst s1;
	(tag) =	ssettag s2;
	_ =	strace s9  }
0x27: {  	s1 =	sld [smem:$0x3FA9]  }
0x28: {  	s2 =	sld [smem:$0x3FAA]  }
0x29: {  	s4 =	sld [smem:$0x3FAC]  }
0x2a: {  	p0 =	seq.s32 s5, $0x0;
	s5 =	sld [smem:$0x3FAD]  }
0x2b: {  	s6 =	sld [smem:$0x3FAE]  }
0x2c: {  	s7 =	sld [smem:$0x3FAF]  }
0x2d: {  	s3 =	simm.s32 $0x108;
	s8 =	sld [smem:$0x3FB0]  }
0x2e: {  	s3 =	simm.s32 @!p0 $0x1082;
	s9 =	sld [smem:$0x3FB1]  }
0x2f: {  	lr =	sadd.s32 s0, s3;
	s0 =	sld [smem:$0x3FA8]  }
0x30: {  	s3 =	sld [smem:$0x3FAB]  }
0x31: {  	[smem:$0x3FB4] =	sst s10  }
0x32: {  	s10 =	sld [smem:$0x3FB2];
	_ =	sdelay $0x3  }
0x33: {  	p0 =	seq.s32 s10, $0x1;
	s10 =	sld [smem:$0x3FB4];
	_ =	sdelay $0x3  }
0x34: {  	[smem:$0x3FB4] =	sst s10  }
0x35: {  	s10 =	sld [smem:$0x3FB3];
	_ =	sdelay $0x3  }
0x36: {  	p1 =	seq.s32 s10, $0x1;
	s10 =	sld [smem:$0x3FB4];
	_ =	sdelay $0x3  }
0x37: {  	[smem:$0x3FB4] =	sst s10  }
0x38: {  	s10 =	sld [smem:$0x3FB5]  }
0x39: {  	_ = 	snop;
	(pc) =	sbr.ind lr, $3  }
0x3a: {  	_ = 	snop  }
0x3b: {  	_ = 	snop  }
0x3c: {  	p2 =	seq.s32 s10, $0x1;
	s10 =	sld [smem:$0x3FB4]  }
0x3d: {  	_ =	shalt  }
0x3e: {  	_ =	shalt  }
0x3f: {  	_ =	shalt  }
0x40: {  	_ =	shalt  }
0x41: {  	_ =	shalt  }
0x42: {  	_ =	shalt  }
0x43: {  	_ =	shalt  }
0x44: {  	_ =	shalt  }
0x45: {  	_ =	shalt  }
0x46: {  	_ =	shalt  }
0x47: {  	_ =	shalt  }
0x48: {  	_ =	shalt  }
0x49: {  	_ =	shalt  }
0x4a: {  	_ =	shalt  }
0x4b: {  	_ =	shalt  }
0x4c: {  	_ =	shalt  }
0x4d: {  	_ =	shalt  }
0x4e: {  	_ =	shalt  }
0x4f: {  	_ =	shalt  }
0x50: {  	_ =	shalt  }
0x51: {  	_ =	shalt  }
0x52: {  	_ =	shalt  }
0x53: {  	_ =	shalt  }
0x54: {  	_ =	shalt  }
0x55: {  	_ =	shalt  }
0x56: {  	_ =	shalt  }
0x57: {  	_ =	shalt  }
0x58: {  	_ =	shalt  }
0x59: {  	_ =	shalt  }
0x5a: {  	_ =	shalt  }
0x5b: {  	_ =	shalt  }
0x5c: {  	_ =	shalt  }
0x5d: {  	_ =	shalt  }
0x5e: {  	_ =	shalt  }
0x5f: {  	_ =	shalt  }
0x60: {  	_ =	shalt  }
0x61: {  	_ =	shalt  }
0x62: {  	_ =	shalt  }
0x63: {  	_ =	shalt  }
0x64: {  	_ =	shalt  }
0x65: {  	_ =	shalt  }
0x66: {  	_ =	shalt  }
0x67: {  	_ =	shalt  }
0x68: {  	_ =	shalt  }
0x69: {  	_ =	shalt  }
0x6a: {  	_ =	shalt  }
0x6b: {  	_ =	shalt  }
0x6c: {  	_ =	shalt  }
0x6d: {  	_ =	shalt  }
0x6e: {  	_ =	shalt  }
0x6f: {  	_ =	shalt  }
0x70: {  	_ =	shalt  }
0x71: {  	_ =	shalt  }
0x72: {  	_ =	shalt  }
0x73: {  	_ =	shalt  }
0x74: {  	_ =	shalt  }
0x75: {  	_ =	shalt  }
0x76: {  	_ =	shalt  }
0x77: {  	_ =	shalt  }
0x78: {  	_ =	shalt  }
0x79: {  	_ =	shalt  }
0x7a: {  	_ =	shalt  }
0x7b: {  	_ =	shalt  }
0x7c: {  	_ =	shalt  }
0x7d: {  	_ =	shalt  }
0x7e: {  	_ =	shalt  }
0x7f: {  	_ =	shalt  }
0x80: {  	_ =	shalt  }
0x81: {  	_ =	shalt  }
0x82: {  	_ =	shalt  }
0x83: {  	_ =	shalt  }
0x84: {  	_ =	shalt  }
0x85: {  	_ =	shalt  }
0x86: {  	_ =	shalt  }
0x87: {  	_ =	shalt  }
.Lfunc_end0:
.L_simem_size_0:
called_computation_lowered:
.L_overlay_start_0:
0x88: {  	s2 =	sld [smem:$0x3FD9]  }
0x89: {  	s3 =	sld [smem:$0x3FFE];
	_ =	sdelay $0x1  }
0x8a: {  	s1 =	srdreg.scid  }
0x8b: {  	s0 =	sand.u32 $0x1, s1  }
0x8c: {  	s16 =	sshll.u32 s0, $0xA;
	s2 =	sadd.s32 s3, s2  }
0x8d: {  	s2 =	sadd.s32 s2, s16  }
0x8e: {  	[smem:$0x3FC0] =	sst s2  }
0x8f: {  	_ = 	snop  }
0x90: {  	(tm) =	ssettm $0x1  }
0x91: {  	s17 =	sld [smem:$0x3FFB];
	_ =	sdelay $0x3  }
0x92: {  	_ =	strace s17  }
0x93: {  	s2 =	sld [smem:$0x3FFC];
	_ =	sdelay $0x3  }
0x94: {  	_ =	strace s2  }
0x95: {  	s2 =	sld [smem:$0x3FFD];
	_ =	sdelay $0x3  }
0x96: {  	_ =	strace s2  }
0x97: {  	_ =	strace $0x8FFFFFFF  }
0x98: {  	s18 =	sld [smem:$0x3FDB];
	_ =	sdelay $0x1  }
0x99: {  	s19 =	simm.s32 $_scs_section_size  }
0x9a: {  	s4 =	simm.s32 $_size__tile_overlayer_lowered;
	s5 =	simm.s32 $_tile_overlayer_lowered  }
0x9b: {  	s22 =	simm.s32 $0x1BFF;
	s21 =	sshll.u32 s5, $0x1;
	s2 =	sadd.s32 s19, s18  }
0x9c: {  	s6 =	simm.s32 $0x0;
	s20 =	sshll.u32 s4, $0x1;
	s4 =	sadd.s32 s21, s2  }
0x9d: {  	[timem:s6], [sflag:s22] =	dma.local [hbm:s4], s20  }
0x9e: {  	_ =	swait.ge [sflag:s22], s20  }
0x9f: {  	s3 =	ssub.s32 $0x0, s20;
	[sflag:s22] =	ssyncset.done $0x0  }
0xa0: {  	[sflag:s22] =	ssyncadd.s32 s3;
	_ =	sdelay $0x1  }
0xa1: {  	s23 =	simm.s32 $0x1B8B  }
0xa2: {  	_ =	swait.ge [sflag:s23], $0x1  }
0xa3: {  	[sflag:s23] =	ssyncset.done $0x0  }
0xa4: {  	s25 =	simm.s32 $0x1B8E;
	s24 =	sld [smem:$0x3FFE];
	[sflag:s23] =	ssyncadd.s32 $0xFFFFFFFF  }
0xa5: {  	s26 =	simm.s32 $execute0_lowered;
	[smem:$0x3FD2] =	sst s25  }
0xa6: {  	s4 =	sshll.u32 s26, $0x1;
	_ =	strace $0x80000046;
	[dreg:$0x1] =	wrdreg $0xFFFFFFFF  }
0xa7: {  	s28 =	simm.s32 $_size_execute0_lowered;
	s2 =	sadd.s32 s2, s4;
	[dreg:$0x0] =	wrdreg $0x0  }
0xa8: {  	s4 =	sshll.u32 s28, $0x1;
	[dreg:$0x2] =	wrdreg s2  }
0xa9: {  	[dreg:$0x3] =	wrdreg s4  }
0xaa: {  	[dreg:$0x4] =	wrdreg $0xC0  }
0xab: {  	_ =	task [dreg:s6], $0x5FFFF  }
0xac: {  	[dreg:$0x1] =	wrdreg $0xFFFFFFFF  }
0xad: {  	[dreg:$0x0] =	wrdreg $0x60  }
0xae: {  	[dreg:$0x2] =	wrdreg s24  }
0xaf: {  	[dreg:$0x3] =	wrdreg $0x0  }
0xb0: {  	[dreg:$0x4] =	wrdreg $0x2800  }
0xb1: {  	[dreg:$0x5] =	wrdreg $0x7800  }
0xb2: {  	[dreg:$0x6] =	wrdreg $0x5000  }
0xb3: {  	[dreg:$0x7] =	wrdreg $0x9  }
0xb4: {  	_ =	task.clear_ibuf [dreg:s6], $0x8FFFF;
	_ =	strace $0x90000046  }
0xb5: {  	s29 =	simm.s32 $0x9;
	_ =	strace $0x80000048  }
0xb6: {  	_ =	swait.ge [sflag:s29], $0x1  }
0xb7: {  	[sflag:s29] =	ssyncadd.s32 $0xFFFFFFFF  }
0xb8: {  	_ =	strace $0x90000048  }
0xb9: {  	_ =	sfence  }
0xba: {  	s30 =	sld [smem:$0x0];
	_ =	sdelay $0x2  }
0xbb: {  	s31 =	sshll.u32 s1, $0xD;
	s1 =	sshrl.u32 s1, $0x2  }
0xbc: {  	s3 =	sand.u32 $0x4000, s31;
	s1 =	sadd.s32 s1, s30  }
0xbd: {  	s0 =	sor.u32 s3, s0;
	s1 =	sshll.u32 s1, $0x11  }
0xbe: {  	s0 =	sor.u32 s1, s0  }
0xbf: {  	s0 =	sadd.s32 $0x8F2B, s0  }
0xc0: {  	[sflag:s0] =	ssyncadd.remote.s32 $0x1  }
0xc1: {  	_ =	sfence.sel $0xFFFF  }
0xc2: {  	[dreg:$0x0] =	wrdreg $0xFFFFFFFF;
	(pc) =	sbr.abs _section_cstart, $3  }
0xc3: {  	[dreg:$0x1] =	wrdreg $0xFFFFFFFF  }
0xc4: {  	_ =	task.clear_ibuf [dreg:s6], $0x2FFFF;
	_ =	strace $0x9FFFFFFF  }
0xc5: {  	(tm) =	ssettm $0x7FFFFFFF  }
tec
execute0_lowered:
.L_overlay_start_1:
0x0: {  	(tag) =	ssettag $0x1  }
0x1: {  	s0 =	rddreg [dreg:$0x0]  }
0x2: {  	s1 =	rddreg [dreg:$0x1]  }
0x3: {  	s3 =	rddreg [dreg:$0x2]  }
0x4: {  	s4 =	rddreg [dreg:$0x3]  }
0x5: {  	s5 =	rddreg [dreg:$0x4]  }
0x6: {  	s11 =	stileid.u32;
	s6 =	srdreg.scid;
	s8 =	simm.s32 $0x0  }
0x7: {  	s28 =	simm.s32 $0xAA00;
	s29 =	simm.s32 $0x3;
	s2 =	smul.u32 $0xA00, s11  }
0x8: {  	s30 =	simm.s32 $0x4;
	s31 =	simm.s32 $0xAA80;
	s7 =	smul.u32 $0x500, s11  }
0x9: {  	s6 =	sand.u32 $0x1, s6;
	[smem:$0x7FF] =	sst s8;
	s10 =	smul.u32 $0x280, s11  }
0xa: {  	s14 =	sshll.u32 s11, $0x6;
	s11 =	simm.s32 $0x0;
	s19 =	smul.u32 $0xA000, s6  }
0xb: {  	s9 =	sshll.u32 s6, $0x7;
	_ =	strace $0x80000047;
	s21 =	smul.u32 $0x50, s6  }
0xc: {  	p0 =	sne.s32 s6, $0x0;
	s2 =	sadd.s32 s2, s0;
	s7 =	sor.u32 s9, s7  }
0xd: {  	s12 =	sshrl.u32 s10, $0x3;
	s9 =	ssub.s32 $0x2, s6;
	s17 =	sadd.s32 s10, s4  }
0xe: {  	s15 =	sadd.s32 s10, s1;
	s20 =	sadd.s32 s10, s5;
	[dreg:$0xa] =	wrdreg s17  }
0xf: {  	s6 =	simm.s32 $0x2;
	s7 =	sshrl.u32 s7, $0x3;
	[dreg:$0xd] =	wrdreg s20  }
0x10: {  	s13 =	sshrl.u32 s9, $0x1;
	s18 =	sadd.s32 $0xBA00, s2;
	[dreg:$0x6] =	wrdreg s15  }
0x11: {  	s2 =	sadd.s32 $0x1A00, s2;
	s23 =	sshrl.u32 s19, $0x2;
	[dreg:$0xb] =	wrdreg s18  }
0x12: {  	s7 =	sadd.s32 s7, s0;
	[dreg:$0xc] =	wrdreg s2;
	s24 =	sadd.s32 $0xA00, s23  }
0x13: {  	s0 =	sadd.s32 s12, s0;
	s25 =	sadd.s32 $0xA80, s23;
	[dreg:$0x10] =	wrdreg s24  }
0x14: {  	s8 =	ssub.s32 s9, s13;
	s9 =	sor.u32 $0x1C05, s14;
	[dreg:$0x11] =	wrdreg s25  }
0x15: {  	s19 =	sadd.s32 $0x4F, s21;
	s16 =	sadd.s32 $0x15A00, s0;
	[dreg:$0x8] =	wrdreg s9  }
0x16: {  	s20 =	sadd.s32 $0x4E, s21;
	s22 =	sadd.s32 $0x16A00, s0;
	[dreg:$0x7] =	wrdreg s16  }
0x17: {  	s23 =	sadd.s32 $0x5A00, s23;
	s0 =	sadd.s32 $0x17000, s0;
	[dreg:$0xe] =	wrdreg s22  }
0x18: {  	s2 =	simm.s32 $0x1;
	s7 =	sadd.s32 $0x16000, s7;
	[dreg:$0xf] =	wrdreg s0  }
0x19: {  	s26 =	smax.u32 s8, $0x1;
	s24 =	sor.u32 $0x3, s21;
	[dreg:$0x12] =	wrdreg s7  }
0x1a: {  	s25 =	simm.s32 $0x5;
	s16 =	sadd.s32 s10, s3;
	[dreg:$0x13] =	wrdreg s26  }
0x1b: {  	v0 =	vimm.f32 $1.000000000e+00;
	s26 =	simm.s32 $0x80;
	s0 =	simm.s32 $0xAB00;
	[dreg:$0x9] =	wrdreg s16  }
.LBB2_1:
0x1c: {  	s7 =	sshrl.u32 s15, $0x3;
	s8 =	rddreg [dreg:$0x7]  }
0x1d: {  	[spmem:s7], [sflag:s9] =	dma.local [hbm:s8], $0x50  }
0x1e: {  	_ =	swait.ge [sflag:s25], $0x50  }
0x1f: {  	[sflag:s25] =	ssyncset.done $0x0  }
0x20: {  	s17 =	sshrl.u32 s16, $0x3;
	[sflag:s25] =	ssyncadd.s32 $0xFFFFFFB0  }
0x21: {  	[spmem:s17], [sflag:s9] =	dma.local [hbm:s8], $0x50  }
0x22: {  	_ =	swait.ge [sflag:s25], $0x50  }
0x23: {  	s18 =	rddreg [dreg:$0xa]  }
0x24: {  	[sflag:s25] =	ssyncset.done $0x0;
	s7 =	sshrl.u32 s18, $0x3  }
0x25: {  	[sflag:s25] =	ssyncadd.s32 $0xFFFFFFB0;
	[dreg:$0x14] =	wrdreg s7  }
0x26: {  	[spmem:s7], [sflag:s9] =	dma.local [hbm:s8], $0x50  }
0x27: {  	_ =	swait.ge [sflag:s25], $0x50  }
0x28: {  	s21 =	simm.s32 $0x0;
	[sflag:s25] =	ssyncset.done $0x0  }
0x29: {  	s8 =	simm.s32 $0xA00;
	s22 =	rddreg [dreg:$0xb];
	[sflag:s25] =	ssyncadd.s32 $0xFFFFFFB0  }
0x2a: {  	[tilespmem:s8], [sflag:$0x5] =	stream.linear.gather [hbm4b:s22+s21], $0x5000, $0x38;
	[tilespmem:$0xB580] =	vst v63  }
0x2b: {  	_ =	swait.ge [sflag:s25], $0x5000  }
0x2c: {  	[sflag:s25] =	ssyncset.done $0x0  }
0x2d: {  	s7 =	simm.s32 $0x5A00;
	s10 =	rddreg [dreg:$0xc];
	[sflag:s25] =	ssyncadd.s32 $0xFFFFB000  }
0x2e: {  	[tilespmem:s7], [sflag:$0x5] =	stream.linear.gather [hbm4b:s10+s21], $0x5000, $0x38;
	[tilespmem:$0xB580] =	vst v63  }
0x2f: {  	_ =	swait.ge [sflag:s25], $0x5000  }
0x30: {  	[sflag:s25] =	ssyncset.done $0x0  }
0x31: {  	[sflag:s25] =	ssyncadd.s32 $0xFFFFB000  }
0x32: {  	[tilespmem:$0xAA00] =	vst v0  }
0x33: {  	[tilespmem:$0xAA10] =	vst v0  }
0x34: {  	[tilespmem:$0xAA20] =	vst v0  }
0x35: {  	[tilespmem:$0xAA30] =	vst v0  }
0x36: {  	[tilespmem:$0xAA40] =	vst v0  }
0x37: {  	[tilespmem:$0xAA50] =	vst v0  }
0x38: {  	[tilespmem:$0xAA60] =	vst v0  }
0x39: {  	p1 =	por $0x1, $0x1;
	[tilespmem:$0xAA70] =	vst v0  }
0x3a: {  	s10 =	simm.s32 @!p1 $0x3;
	[bflag:$0x0] =	sbarrier.arrive $0xFFFF  }
0x3b: {  	_ =	swait.ge @!p1 [sflag:s10], $0x80  }
0x3c: {  	[sflag:s10] =	ssyncset.done @!p1 $0x0  }
0x3d: {  	[sflag:s10] =	ssyncadd.s32 @!p1 $0xFFFFFF80;
	s10 =	simm.s32 @!p1 $0x4  }
0x3e: {  	_ =	swait.ge @!p1 [sflag:s10], $0x80  }
0x3f: {  	s12 =	simm.s32 $0x2;
	[sflag:s10] =	ssyncset.done @!p1 $0x0  }
0x40: {  	[sflag:s10] =	ssyncadd.s32 @!p1 $0xFFFFFF80;
	p1 =	por $0x1, $0x1;
	s10 =	simm.s32 $0xA80  }
0x41: {  	[spmem:s1] =	stream.indirect.scatter.add.f32 [tilespmem:s28], [sflag:$0x3], $0x1, s7, s26, $0xb8;
	[tilespmem:$0xB580] =	vst v63  }
.LBB2_2:
0x42: {  	s13 =	simm.s32 @!p1 $0x3  }
0x43: {  	s7 =	sadd.s32 $0x80, s7;
	s14 =	smov.u32 s12;
	s12 =	sadd.s32 $0x1, s12  }
0x44: {  	[spmem:s3] =	stream.indirect.scatter.add.f32 [tilespmem:s28], [sflag:$0x4], $0x1, s8, s26, $0xb8;
	[tilespmem:$0xB580] =	vst v63  }
0x45: {  	p2 =	sne.s32 s12, $0xA0;
	s8 =	smov.u32 s10;
	_ =	swait.ge @!p1 [sflag:s13], $0x80  }
0x46: {  	[sflag:s13] =	ssyncset.done @!p1 $0x0  }
.Ltmp0:
0x47: {  	[sflag:s13] =	ssyncadd.s32 @!p1 $0xFFFFFF80;
	s13 =	simm.s32 @!p1 $0x4;
	(pc) =	sbr.rel @p2 .LBB2_2-.Ltmp0, $4  }
0x48: {  	_ =	swait.ge @!p1 [sflag:s13], $0x80  }
0x49: {  	[sflag:s13] =	ssyncset.done @!p1 $0x0  }
0x4a: {  	s10 =	sadd.s32 $0x80, s10;
	[sflag:s13] =	ssyncadd.s32 @!p1 $0xFFFFFF80;
	p1 =	slt.u32 s14, $0x8  }
0x4b: {  	[spmem:s1] =	stream.indirect.scatter.add.f32 [tilespmem:s28], [sflag:$0x3], $0x1, s7, s26, $0xb8;
	[tilespmem:$0xB580] =	vst v63  }
0x4c: {  	s12 =	simm.s32 @!p1 $0x3  }
0x4d: {  	[spmem:s3] =	stream.indirect.scatter.add.f32 [tilespmem:s28], [sflag:$0x4], $0x1, s8, s26, $0xb8;
	[tilespmem:$0xB580] =	vst v63  }
0x4e: {  	_ =	swait.ge @!p1 [sflag:s12], $0x80  }
0x4f: {  	[sflag:s12] =	ssyncset.done @!p1 $0x0  }
0x50: {  	s8 =	simm.s32 @!p1 $0x4;
	[sflag:s12] =	ssyncadd.s32 @!p1 $0xFFFFFF80  }
0x51: {  	_ =	swait.ge @!p1 [sflag:s8], $0x80  }
0x52: {  	[sflag:s8] =	ssyncset.done @!p1 $0x0  }
0x53: {  	s7 =	sadd.s32 $0x80, s7;
	[sflag:s8] =	ssyncadd.s32 @!p1 $0xFFFFFF80  }
0x54: {  	[spmem:s1] =	stream.indirect.scatter.add.f32 [tilespmem:s28], [sflag:$0x3], $0x1, s7, s26, $0xb8;
	[tilespmem:$0xB580] =	vst v63  }
0x55: {  	_ = 	snop  }
0x56: {  	[spmem:s3] =	stream.indirect.scatter.add.f32 [tilespmem:s28], [sflag:$0x4], $0x1, s10, s26, $0xb8;
	[tilespmem:$0xB580] =	vst v63  }
0x57: {  	_ =	swait.ge [sflag:s29], $0x80  }
0x58: {  	[sflag:s29] =	ssyncset.done $0x0  }
0x59: {  	[sflag:s29] =	ssyncadd.s32 $0xFFFFFF80  }
0x5a: {  	_ =	swait.ge [sflag:s30], $0x80  }
0x5b: {  	[sflag:s30] =	ssyncset.done $0x0  }
0x5c: {  	[sflag:s30] =	ssyncadd.s32 $0xFFFFFF80  }
0x5d: {  	_ =	swait.ge [sflag:s29], $0x80  }
0x5e: {  	[sflag:s29] =	ssyncset.done $0x0  }
0x5f: {  	[sflag:s29] =	ssyncadd.s32 $0xFFFFFF80  }
0x60: {  	_ =	swait.ge [sflag:s30], $0x80  }
0x61: {  	[sflag:s30] =	ssyncset.done $0x0  }
0x62: {  	[sflag:s30] =	ssyncadd.s32 $0xFFFFFF80  }
0x63: {  	_ =	swait.ge [sflag:s29], $0x80  }
0x64: {  	[sflag:s29] =	ssyncset.done $0x0  }
0x65: {  	[sflag:s29] =	ssyncadd.s32 $0xFFFFFF80  }
0x66: {  	_ =	swait.ge [sflag:s30], $0x80  }
0x67: {  	[sflag:s30] =	ssyncset.done $0x0  }
0x68: {  	[sflag:s30] =	ssyncadd.s32 $0xFFFFFF80  }
0x69: {  	_ =	swait.ge [sflag:s29], $0x80  }
0x6a: {  	[sflag:s29] =	ssyncset.done $0x0  }
0x6b: {  	[sflag:s29] =	ssyncadd.s32 $0xFFFFFF80  }
0x6c: {  	_ =	swait.ge [sflag:s30], $0x80  }
0x6d: {  	[sflag:s30] =	ssyncset.done $0x0  }
0x6e: {  	[sflag:s30] =	ssyncadd.s32 $0xFFFFFF80  }
0x6f: {  	_ =	swait.ge [sflag:s29], $0x80  }
0x70: {  	[sflag:s29] =	ssyncset.done $0x0  }
0x71: {  	[sflag:s29] =	ssyncadd.s32 $0xFFFFFF80  }
0x72: {  	_ =	swait.ge [sflag:s30], $0x80  }
0x73: {  	[sflag:s30] =	ssyncset.done $0x0  }
0x74: {  	[sflag:s30] =	ssyncadd.s32 $0xFFFFFF80  }
0x75: {  	_ =	swait.ge [sflag:s29], $0x80  }
0x76: {  	[sflag:s29] =	ssyncset.done $0x0  }
0x77: {  	[sflag:s29] =	ssyncadd.s32 $0xFFFFFF80  }
0x78: {  	_ =	swait.ge [sflag:s30], $0x80  }
0x79: {  	[sflag:s30] =	ssyncset.done $0x0  }
0x7a: {  	[sflag:s30] =	ssyncadd.s32 $0xFFFFFF80  }
0x7b: {  	_ =	swait.ge [sflag:s29], $0x80  }
0x7c: {  	[sflag:s29] =	ssyncset.done $0x0  }
0x7d: {  	[sflag:s29] =	ssyncadd.s32 $0xFFFFFF80  }
0x7e: {  	_ =	swait.ge [sflag:s30], $0x80  }
0x7f: {  	[sflag:s30] =	ssyncset.done $0x0  }
0x80: {  	[sflag:s30] =	ssyncadd.s32 $0xFFFFFF80  }
0x81: {  	_ =	swait.ge [sflag:s29], $0x80  }
0x82: {  	[sflag:s29] =	ssyncset.done $0x0  }
0x83: {  	[sflag:s29] =	ssyncadd.s32 $0xFFFFFF80  }
0x84: {  	_ =	swait.ge [sflag:s30], $0x80  }
0x85: {  	[sflag:s30] =	ssyncset.done $0x0  }
0x86: {  	[sflag:s30] =	ssyncadd.s32 $0xFFFFFF80  }
0x87: {  	s21 =	simm.s32 $0xAB80;
	[bflag:$0x0] =	sbarrier.arrive $0xFFFF  }
0x88: {  	[tilespmem:s21], [sflag:$0x5] =	stream.linear.gather [spmem:s15], $0x280, $0x38;
	[tilespmem:$0xB580] =	vst v63  }
0x89: {  	_ =	swait.ge [sflag:s25], $0x280  }
0x8a: {  	[sflag:s25] =	ssyncset.done $0x0  }
0x8b: {  	s22 =	simm.s32 $0xAE00;
	[sflag:s25] =	ssyncadd.s32 $0xFFFFFD80  }
0x8c: {  	[tilespmem:s22], [sflag:$0x5] =	stream.linear.gather [spmem:s16], $0x280, $0x38;
	[tilespmem:$0xB580] =	vst v63  }
0x8d: {  	_ =	swait.ge [sflag:s25], $0x280  }
0x8e: {  	[sflag:s25] =	ssyncset.done $0x0  }
0x8f: {  	s10 =	simm.s32 $0x0;
	[sflag:s25] =	ssyncadd.s32 $0xFFFFFD80  }
0x90: {  	v5 =	vld [tilespmem:s10+$0xAE00];
	_ =	sdelay $0x4  }
0x91: {  	v1 =	vmax.f32 v5, $1.000000000e+00  }
0x92: {  	vm0 =	vge.f32 v1, $2.560000000e+02  }
0x93: {  	vm1 =	vge.f32 v1, $6.553600000e+04;
	v2 =	vsel vm0, $0x41800000, v0  }
0x94: {  	v9 =	vsel vm1, $0x43800000, v2  }
0x95: {  	v2 =	vmul.f32 v9, v9;
	_ =	sdelay $0x1  }
0x96: {  	(erf) = vrcp.f32 v2;
	_ =	sdelay $0x8  }
0x97: {  	v2 =	vpop (erf)  }
0x98: {  	v4 =	vmul.f32 v2, v1;
	_ =	sdelay $0x1  }
0x99: {  	v1 =	vmul.f32 $9.000000350e-02, v4  }
0x9a: {  	s22 =	simm.s32 $0x10  }
0x9b: {  	v3 =	vld [tilespmem:s22+$0xAE00];
	v1 =	vadd.f32 $1.600000020e+00, v1;
	_ =	sdelay $0x1  }
0x9c: {  	(erf) = vrcp.f32 v1;
	_ =	sdelay $0x2  }
0x9d: {  	v2 =	vmax.f32 v3, $1.000000000e+00  }
0x9e: {  	vm0 =	vge.f32 v2, $2.560000000e+02  }
0x9f: {  	vm1 =	vge.f32 v2, $6.553600000e+04;
	v6 =	vsel vm0, $0x41800000, v0  }
0xa0: {  	v11 =	vsel vm1, $0x43800000, v6  }
0xa1: {  	v6 =	vmul.f32 v11, v11;
	_ =	sdelay $0x1  }
0xa2: {  	(erf) = vrcp.f32 v6;
	v7 =	vpop (erf)  }
0xa3: {  	v6 =	vmul.f32 v7, v4;
	_ =	sdelay $0x1  }
0xa4: {  	v1 =	vadd.f32 v6, v1;
	_ =	sdelay $0x1  }
0xa5: {  	v6 =	vmul.f32 $5.000000000e-01, v1;
	_ =	sdelay $0x1  }
0xa6: {  	(erf) = vrcp.f32 v6;
	_ =	sdelay $0x1  }
0xa7: {  	v1 =	vpop (erf)  }
0xa8: {  	v13 =	vmul.f32 v1, v2;
	_ =	sdelay $0x1  }
0xa9: {  	v1 =	vmul.f32 $9.000000350e-02, v13;
	_ =	sdelay $0x1  }
0xaa: {  	s18 =	simm.s32 $0x20;
	v2 =	vadd.f32 $1.600000020e+00, v1  }
0xab: {  	v1 =	vld [tilespmem:s18+$0xAE00]  }
0xac: {  	(erf) = vrcp.f32 v2;
	v7 =	vpop (erf)  }
0xad: {  	v7 =	vmul.f32 v7, v4;
	_ =	sdelay $0x1  }
0xae: {  	v6 =	vadd.f32 v7, v6  }
0xaf: {  	v7 =	vmax.f32 v1, $1.000000000e+00  }
0xb0: {  	vm0 =	vge.f32 v7, $2.560000000e+02;
	v6 =	vmul.f32 $5.000000000e-01, v6  }
0xb1: {  	vm1 =	vge.f32 v7, $6.553600000e+04;
	v8 =	vsel vm0, $0x41800000, v0  }
0xb2: {  	v10 =	vsel vm1, $0x43800000, v8;
	(erf) = vrcp.f32 v6  }
0xb3: {  	v8 =	vmul.f32 v10, v10  }
0xb4: {  	v12 =	vpop (erf)  }
0xb5: {  	(erf) = vrcp.f32 v8;
	v8 =	vmul.f32 v12, v13;
	_ =	sdelay $0x1  }
0xb6: {  	v2 =	vadd.f32 v8, v2;
	_ =	sdelay $0x3  }
0xb7: {  	v12 =	vmul.f32 $5.000000000e-01, v2;
	v2 =	vpop (erf)  }
0xb8: {  	v2 =	vmul.f32 v2, v4  }
0xb9: {  	(erf) = vrcp.f32 v12  }
0xba: {  	v2 =	vadd.f32 v2, v6  }
0xbb: {  	v8 =	vpop (erf)  }
0xbc: {  	v8 =	vmul.f32 v8, v7;
	v7 =	vmul.f32 $5.000000000e-01, v2;
	_ =	sdelay $0x1  }
0xbd: {  	v2 =	vmul.f32 $9.000000350e-02, v8;
	(erf) = vrcp.f32 v7  }
0xbe: {  	s17 =	simm.s32 $0x30  }
0xbf: {  	v14 =	vadd.f32 $1.600000020e+00, v2;
	v2 =	vld [tilespmem:s17+$0xAE00];
	_ =	sdelay $0x1  }
0xc0: {  	v6 =	vpop (erf);
	(erf) = vrcp.f32 v14  }
0xc1: {  	v6 =	vmul.f32 v6, v13;
	_ =	sdelay $0x1  }
0xc2: {  	v6 =	vadd.f32 v6, v12;
	v12 =	vmax.f32 v2, $1.000000000e+00  }
0xc3: {  	vm0 =	vge.f32 v12, $2.560000000e+02  }
0xc4: {  	v15 =	vmul.f32 $5.000000000e-01, v6;
	vm1 =	vge.f32 v12, $6.553600000e+04;
	v6 =	vsel vm0, $0x41800000, v0;
	v16 =	vpop (erf)  }
0xc5: {  	v6 =	vsel vm1, $0x43800000, v6;
	v16 =	vmul.f32 v16, v4  }
0xc6: {  	(erf) = vrcp.f32 v15;
	v17 =	vmul.f32 v6, v6  }
0xc7: {  	v7 =	vadd.f32 v16, v7  }
0xc8: {  	v18 =	vpop (erf);
	(erf) = vrcp.f32 v17  }
0xc9: {  	v16 =	vmul.f32 v18, v8;
	v17 =	vmul.f32 $5.000000000e-01, v7;
	_ =	sdelay $0x1  }
0xca: {  	v7 =	vadd.f32 v16, v14;
	(erf) = vrcp.f32 v17;
	_ =	sdelay $0x2  }
0xcb: {  	v14 =	vmul.f32 $5.000000000e-01, v7  }
0xcc: {  	v7 =	vpop (erf)  }
0xcd: {  	(erf) = vrcp.f32 v14;
	v7 =	vmul.f32 v7, v13;
	_ =	sdelay $0x1  }
0xce: {  	v16 =	vpop (erf);
	v15 =	vadd.f32 v7, v15  }
0xcf: {  	v7 =	vmul.f32 v16, v12  }
0xd0: {  	v15 =	vmul.f32 $5.000000000e-01, v15;
	v16 =	vpop (erf)  }
0xd1: {  	v12 =	vmul.f32 $9.000000350e-02, v7;
	v16 =	vmul.f32 v16, v4  }
0xd2: {  	(erf) = vrcp.f32 v15  }
0xd3: {  	s16 =	simm.s32 $0x40;
	v18 =	vadd.f32 $1.600000020e+00, v12  }
0xd4: {  	v4 =	vld [tilespmem:s16+$0xAE00]  }
0xd5: {  	(erf) = vrcp.f32 v18;
	v12 =	vadd.f32 v16, v17;
	v16 =	vpop (erf)  }
0xd6: {  	v16 =	vmul.f32 v16, v8  }
0xd7: {  	v12 =	vmul.f32 $5.000000000e-01, v12  }
0xd8: {  	v14 =	vadd.f32 v16, v14  }
0xd9: {  	v9 =	vmul.f32 v12, v9;
	v16 =	vmax.f32 v4, $1.000000000e+00  }
0xda: {  	vm0 =	vge.f32 v16, $2.560000000e+02;
	v14 =	vmul.f32 $5.000000000e-01, v14  }
0xdb: {  	(erf) = vrcp.f32 v9;
	vm1 =	vge.f32 v16, $6.553600000e+04;
	v17 =	vpop (erf);
	v9 =	vsel vm0, $0x41800000, v0  }
0xdc: {  	v12 =	vsel vm1, $0x43800000, v9;
	v9 =	vmul.f32 v17, v13;
	(erf) = vrcp.f32 v14  }
0xdd: {  	v17 =	vmul.f32 v12, v12  }
0xde: {  	v19 =	vpop (erf);
	v9 =	vadd.f32 v9, v15  }
0xdf: {  	v15 =	vmul.f32 v19, v7;
	(erf) = vrcp.f32 v17  }
0xe0: {  	v17 =	vmul.f32 $5.000000000e-01, v9  }
0xe1: {  	v9 =	vadd.f32 v15, v18  }
0xe2: {  	(erf) = vrcp.f32 v17  }
0xe3: {  	v18 =	vmul.f32 $5.000000000e-01, v9  }
0xe4: {  	v9 =	vld [tilespmem:s10+$0xAB80];
	v15 =	vpop (erf)  }
0xe5: {  	(erf) = vrcp.f32 v18;
	v19 =	vpop (erf)  }
0xe6: {  	v19 =	vmul.f32 v19, v8;
	_ =	sdelay $0x1  }
0xe7: {  	v19 =	vadd.f32 v19, v14;
	v14 =	vpop (erf)  }
0xe8: {  	v20 =	vmax.f32 v9, $1.000000000e+00;
	v14 =	vmul.f32 v14, v16  }
0xe9: {  	vm0 =	vgt.f32 v5, $0.0e+00;
	vm1 =	vge.f32 v20, $6.553600000e+04;
	v16 =	vmul.f32 $5.000000000e-01, v19  }
0xea: {  	v19 =	vnsel vm0, $0x0, v15;
	v15 =	vpop (erf);
	vm0 =	vge.f32 v20, $2.560000000e+02;
	v5 =	vmul.f32 $9.000000350e-02, v14  }
0xeb: {  	s13 =	simm.s32 $0x50;
	[tilespmem:s10+$0xAB80] =	vst v19;
	v15 =	vmul.f32 v15, v13;
	v13 =	vsel vm0, $0x41800000, v0;
	(erf) = vrcp.f32 v16  }
0xec: {  	v13 =	vsel vm1, $0x43800000, v13;
	v21 =	vadd.f32 $1.600000020e+00, v5;
	v5 =	vld [tilespmem:s13+$0xAE00]  }
0xed: {  	v22 =	vpop (erf);
	v15 =	vadd.f32 v15, v17;
	v17 =	vmul.f32 v13, v13  }
0xee: {  	v22 =	vmul.f32 v22, v7;
	(erf) = vrcp.f32 v21  }
0xef: {  	v15 =	vmul.f32 $5.000000000e-01, v15  }
0xf0: {  	(erf) = vrcp.f32 v17;
	v17 =	vadd.f32 v22, v18  }
0xf1: {  	v11 =	vmul.f32 v15, v11;
	v18 =	vmax.f32 v5, $1.000000000e+00  }
0xf2: {  	v17 =	vmul.f32 $5.000000000e-01, v17;
	vm0 =	vge.f32 v18, $2.560000000e+02  }
0xf3: {  	(erf) = vrcp.f32 v11;
	vm1 =	vge.f32 v18, $6.553600000e+04;
	v11 =	vsel vm0, $0x41800000, v0  }
0xf4: {  	(erf) = vrcp.f32 v17;
	v22 =	vpop (erf);
	v15 =	vsel vm1, $0x43800000, v11  }
0xf5: {  	v11 =	vmul.f32 v22, v8;
	v22 =	vmul.f32 v15, v15;
	_ =	sdelay $0x1  }
0xf6: {  	v11 =	vadd.f32 v11, v16;
	v16 =	vpop (erf)  }
0xf7: {  	(erf) = vrcp.f32 v22;
	v16 =	vmul.f32 v16, v14  }
0xf8: {  	v11 =	vmul.f32 $5.000000000e-01, v11;
	v22 =	vpop (erf)  }
0xf9: {  	v20 =	vmul.f32 v22, v20;
	v16 =	vadd.f32 v16, v21  }
0xfa: {  	v19 =	vmul.f32 v19, v9;
	(erf) = vrcp.f32 v11  }
0xfb: {  	v21 =	vmul.f32 $9.000000350e-02, v20;
	v16 =	vmul.f32 $5.000000000e-01, v16  }
0xfc: {  	[tilespmem:s10+$0xB080] =	vst v19;
	v23 =	vpop (erf)  }
0xfd: {  	v19 =	vld [tilespmem:s22+$0xAB80];
	v22 =	vpop (erf);
	v21 =	vadd.f32 $1.600000020e+00, v21;
	(erf) = vrcp.f32 v16  }
0xfe: {  	v22 =	vmul.f32 v22, v7  }
0xff: {  	(erf) = vrcp.f32 v21  }
0x100: {  	v17 =	vadd.f32 v22, v17;
	v24 =	vpop (erf)  }
0x101: {  	vm0 =	vgt.f32 v3, $0.0e+00;
	v22 =	vmul.f32 v24, v18  }
0x102: {  	v17 =	vmul.f32 $5.000000000e-01, v17;
	v18 =	vnsel vm0, $0x0, v23;
	v23 =	vmax.f32 v19, $1.000000000e+00  }
0x103: {  	vm0 =	vge.f32 v23, $2.560000000e+02;
	vm1 =	vge.f32 v23, $6.553600000e+04;
	v3 =	vmul.f32 $9.000000350e-02, v22;
	v24 =	vpop (erf)  }
0x104: {  	(erf) = vrcp.f32 v17;
	v24 =	vmul.f32 v24, v8;
	v8 =	vsel vm0, $0x41800000, v0  }
0x105: {  	s14 =	simm.s32 $0x60;
	[tilespmem:s22+$0xAB80] =	vst v18;
	v25 =	vadd.f32 $1.600000020e+00, v3;
	v8 =	vsel vm1, $0x43800000, v8  }
0x106: {  	v3 =	vld [tilespmem:s14+$0xAE00];
	v11 =	vadd.f32 v24, v11;
	v24 =	vmul.f32 v8, v8;
	v26 =	vpop (erf)  }
0x107: {  	(erf) = vrcp.f32 v25;
	v26 =	vmul.f32 v26, v14  }
0x108: {  	v11 =	vmul.f32 $5.000000000e-01, v11;
	v27 =	vpop (erf)  }
0x109: {  	(erf) = vrcp.f32 v24;
	v24 =	vmul.f32 v27, v20;
	v16 =	vadd.f32 v26, v16;
	_ =	sdelay $0x1  }
0x10a: {  	v26 =	vmax.f32 v3, $1.000000000e+00;
	v10 =	vmul.f32 v11, v10;
	v11 =	vadd.f32 v24, v21  }
0x10b: {  	vm0 =	vge.f32 v26, $2.560000000e+02;
	vm1 =	vge.f32 v26, $6.553600000e+04;
	v21 =	vmul.f32 $5.000000000e-01, v16  }
0x10c: {  	(erf) = vrcp.f32 v10;
	v10 =	vsel vm0, $0x41800000, v0;
	v16 =	vpop (erf);
	v24 =	vmul.f32 $5.000000000e-01, v11  }
0x10d: {  	v11 =	vsel vm1, $0x43800000, v10;
	(erf) = vrcp.f32 v21;
	v10 =	vmul.f32 v16, v7  }
0x10e: {  	v16 =	vmul.f32 v11, v11  }
0x10f: {  	v10 =	vadd.f32 v10, v17;
	v17 =	vpop (erf)  }
0x110: {  	(erf) = vrcp.f32 v24;
	v17 =	vmul.f32 v17, v22  }
0x111: {  	(erf) = vrcp.f32 v16  }
0x112: {  	v18 =	vmul.f32 v18, v19;
	v10 =	vmul.f32 $5.000000000e-01, v10;
	v16 =	vpop (erf);
	v17 =	vadd.f32 v17, v25  }
0x113: {  	v16 =	vmul.f32 v16, v23  }
0x114: {  	(erf) = vrcp.f32 v10;
	v17 =	vmul.f32 $5.000000000e-01, v17  }
0x115: {  	v23 =	vmul.f32 $9.000000350e-02, v16;
	v25 =	vpop (erf)  }
0x116: {  	[tilespmem:s22+$0xB080] =	vst v18;
	v18 =	vpop (erf);
	(erf) = vrcp.f32 v17  }
0x117: {  	v27 =	vadd.f32 $1.600000020e+00, v23;
	v18 =	vmul.f32 v18, v14  }
0x118: {  	v23 =	vld [tilespmem:s18+$0xAB80]  }
0x119: {  	v28 =	vpop (erf);
	(erf) = vrcp.f32 v27;
	v18 =	vadd.f32 v18, v21  }
0x11a: {  	vm0 =	vgt.f32 v1, $0.0e+00;
	v29 =	vpop (erf);
	v1 =	vmul.f32 v28, v20  }
0x11b: {  	v21 =	vmul.f32 v29, v26;
	v18 =	vmul.f32 $5.000000000e-01, v18  }
0x11c: {  	v25 =	vnsel vm0, $0x0, v25;
	v1 =	vadd.f32 v1, v24  }
0x11d: {  	v24 =	vmax.f32 v23, $1.000000000e+00;
	v26 =	vmul.f32 $9.000000350e-02, v21;
	v28 =	vpop (erf);
	(erf) = vrcp.f32 v18  }
0x11e: {  	s15 =	simm.s32 $0x70;
	[tilespmem:s18+$0xAB80] =	vst v25;
	vm0 =	vge.f32 v24, $2.560000000e+02;
	vm1 =	vge.f32 v24, $6.553600000e+04;
	v28 =	vmul.f32 v28, v7  }
0x11f: {  	v29 =	vmul.f32 $5.000000000e-01, v1;
	v1 =	vld [tilespmem:s15+$0xAE00];
	v7 =	vsel vm0, $0x41800000, v0;
	v26 =	vadd.f32 $1.600000020e+00, v26;
	v30 =	vpop (erf)  }
0x120: {  	v7 =	vsel vm1, $0x43800000, v7;
	v10 =	vadd.f32 v28, v10;
	v30 =	vmul.f32 v30, v22  }
0x121: {  	v28 =	vmul.f32 v7, v7  }
0x122: {  	(erf) = vrcp.f32 v26;
	v10 =	vmul.f32 $5.000000000e-01, v10;
	v31 =	vpop (erf);
	v17 =	vadd.f32 v30, v17  }
0x123: {  	(erf) = vrcp.f32 v28;
	v28 =	vmul.f32 v31, v16  }
0x124: {  	(erf) = vrcp.f32 v29;
	v30 =	vmax.f32 v1, $1.000000000e+00;
	v6 =	vmul.f32 v10, v6  }
0x125: {  	vm0 =	vge.f32 v30, $2.560000000e+02;
	vm1 =	vge.f32 v30, $6.553600000e+04;
	v10 =	vadd.f32 v28, v27  }
0x126: {  	v27 =	vmul.f32 $5.000000000e-01, v17;
	(erf) = vrcp.f32 v6;
	v6 =	vsel vm0, $0x41800000, v0;
	v17 =	vpop (erf)  }
0x127: {  	v28 =	vmul.f32 $5.000000000e-01, v10;
	v10 =	vsel vm1, $0x43800000, v6;
	v6 =	vmul.f32 v17, v14;
	_ =	sdelay $0x1  }
0x128: {  	(erf) = vrcp.f32 v27;
	v6 =	vadd.f32 v6, v18;
	_ =	sdelay $0x1  }
0x129: {  	v17 =	vmul.f32 v10, v10;
	(erf) = vrcp.f32 v28;
	v18 =	vpop (erf)  }
0x12a: {  	v18 =	vmul.f32 v18, v21  }
0x12b: {  	(erf) = vrcp.f32 v17;
	v31 =	vmul.f32 $5.000000000e-01, v6;
	v6 =	vpop (erf)  }
0x12c: {  	v17 =	vmul.f32 v6, v24;
	v6 =	vadd.f32 v18, v26;
	v18 =	vmul.f32 v25, v23;
	_ =	sdelay $0x1  }
0x12d: {  	(erf) = vrcp.f32 v31;
	v24 =	vpop (erf)  }
0x12e: {  	v26 =	vpop (erf);
	v25 =	vmul.f32 $9.000000350e-02, v17  }
0x12f: {  	v32 =	vmul.f32 $5.000000000e-01, v6;
	[tilespmem:s18+$0xB080] =	vst v18;
	v6 =	vmul.f32 v24, v20;
	v18 =	vpop (erf)  }
0x130: {  	v24 =	vadd.f32 $1.600000020e+00, v25;
	v25 =	vld [tilespmem:s17+$0xAB80];
	v18 =	vmul.f32 v18, v22  }
0x131: {  	(erf) = vrcp.f32 v32;
	v6 =	vadd.f32 v6, v29;
	v29 =	vpop (erf)  }
0x132: {  	(erf) = vrcp.f32 v24;
	v29 =	vmul.f32 v29, v16;
	v27 =	vadd.f32 v18, v27  }
0x133: {  	vm0 =	vgt.f32 v2, $0.0e+00;
	v33 =	vpop (erf);
	v34 =	vmul.f32 $5.000000000e-01, v6  }
0x134: {  	v26 =	vnsel vm0, $0x0, v26;
	v18 =	vmul.f32 v33, v30;
	v27 =	vmul.f32 $5.000000000e-01, v27  }
0x135: {  	v2 =	vadd.f32 v29, v28;
	(erf) = vrcp.f32 v34;
	v28 =	vmax.f32 v25, $1.000000000e+00  }
0x136: {  	v6 =	vmul.f32 $9.000000350e-02, v18;
	v29 =	vpop (erf);
	vm0 =	vge.f32 v28, $2.560000000e+02;
	(erf) = vrcp.f32 v27  }
0x137: {  	s21 =	simm.s32 $0x80;
	[tilespmem:s17+$0xAB80] =	vst v26;
	vm1 =	vge.f32 v28, $6.553600000e+04;
	v14 =	vmul.f32 v29, v14;
	v29 =	vsel vm0, $0x41800000, v0  }
0x138: {  	v30 =	vadd.f32 $1.600000020e+00, v6;
	v6 =	vsel vm1, $0x43800000, v29;
	v29 =	vmul.f32 $5.000000000e-01, v2;
	v2 =	vld [tilespmem:s21+$0xAE00]  }
0x139: {  	v14 =	vadd.f32 v14, v31  }
0x13a: {  	v31 =	vmul.f32 v6, v6;
	(erf) = vrcp.f32 v30;
	v51 =	vpop (erf)  }
0x13b: {  	v33 =	vmul.f32 v51, v21;
	v14 =	vmul.f32 $5.000000000e-01, v14;
	v35 =	vpop (erf)  }
0x13c: {  	(erf) = vrcp.f32 v31;
	v31 =	vmul.f32 v35, v17  }
0x13d: {  	v32 =	vadd.f32 v33, v32;
	v12 =	vmul.f32 v14, v12;
	v52 =	vmax.f32 v2, $1.000000000e+00  }
0x13e: {  	(erf) = vrcp.f32 v29;
	v14 =	vadd.f32 v31, v24;
	v24 =	vpop (erf);
	vm0 =	vge.f32 v52, $2.560000000e+02  }
0x13f: {  	v31 =	vmul.f32 $5.000000000e-01, v32;
	vm1 =	vge.f32 v52, $6.553600000e+04;
	(erf) = vrcp.f32 v12;
	v53 =	vpop (erf)  }
0x140: {  	v12 =	vsel vm0, $0x41800000, v0;
	v54 =	vmul.f32 $5.000000000e-01, v14;
	v14 =	vmul.f32 v53, v22  }
0x141: {  	vm0 =	vgt.f32 v9, $0.0e+00;
	v12 =	vsel vm1, $0x43800000, v12  }
0x142: {  	(erf) = vrcp.f32 v31;
	v9 =	vmul.f32 v12, v12;
	v14 =	vadd.f32 v14, v27  }
0x143: {  	v24 =	vmul.f32 v24, v20;
	(erf) = vrcp.f32 v54  }
0x144: {  	vm1 =	vgt.f32 v19, $0.0e+00;
	v19 =	vpop (erf);
	(erf) = vrcp.f32 v9  }
0x145: {  	v9 =	vmul.f32 v19, v18;
	v19 =	vadd.f32 v24, v34;
	v24 =	vmul.f32 v26, v25  }
0x146: {  	v27 =	vmul.f32 $5.000000000e-01, v14;
	v14 =	vpop (erf)  }
0x147: {  	vm3 =	vgt.f32 v23, $0.0e+00;
	vm0 =	vmmov vm0;
	[tilespmem:s17+$0xB080] =	vst v24;
	v14 =	vmul.f32 v14, v28  }
0x148: {  	vm0 =	vmmov vm0;
	v9 =	vadd.f32 v9, v30;
	v30 =	vld [tilespmem:s16+$0xAB80];
	(erf) = vrcp.f32 v27  }
0x149: {  	vm2 =	vmmov vm1;
	v23 =	vpop (erf);
	v28 =	vmul.f32 $5.000000000e-01, v19;
	v26 =	vmul.f32 $9.000000350e-02, v14  }
0x14a: {  	vm1 =	vmmov vm0;
	v24 =	vmul.f32 $5.000000000e-01, v9;
	v19 =	vmul.f32 v23, v16  }
0x14b: {  	vm0 =	vmmov vm3;
	v23 =	vpop (erf);
	(erf) = vrcp.f32 v28;
	v26 =	vadd.f32 $1.600000020e+00, v26  }
0x14c: {  	vm3 =	vgt.f32 v4, $0.0e+00;
	v9 =	vpop (erf);
	v19 =	vadd.f32 v19, v29;
	(erf) = vrcp.f32 v24  }
0x14d: {  	v9 =	vmul.f32 v9, v21;
	v29 =	vpop (erf);
	v55 =	vmax.f32 v30, $1.000000000e+00;
	(erf) = vrcp.f32 v26  }
0x14e: {  	v23 =	vnsel vm3, $0x0, v23;
	v29 =	vmul.f32 v29, v17;
	v4 =	vpop (erf);
	vm3 =	vge.f32 v55, $2.560000000e+02  }
0x14f: {  	v9 =	vadd.f32 v9, v31;
	v31 =	vmul.f32 $5.000000000e-01, v19;
	v19 =	vmul.f32 v4, v52  }
0x150: {  	vm4 =	vge.f32 v55, $6.553600000e+04;
	v57 =	vsel vm3, $0x41800000, v0  }
0x151: {  	v4 =	vadd.f32 v29, v54;
	v29 =	vmul.f32 $5.000000000e-01, v9;
	v9 =	vmul.f32 $9.000000350e-02, v19;
	v56 =	vpop (erf)  }
0x152: {  	vm3 =	vgt.f32 v25, $0.0e+00;
	(erf) = vrcp.f32 v31;
	v22 =	vmul.f32 v56, v22  }
0x153: {  	s7 =	simm.s32 $0x90;
	[tilespmem:s16+$0xAB80] =	vst v23;
	(erf) = vrcp.f32 v29;
	v25 =	vadd.f32 $1.600000020e+00, v9;
	v9 =	vsel vm4, $0x43800000, v57  }
0x154: {  	v58 =	vmul.f32 $5.000000000e-01, v4;
	v4 =	vld [tilespmem:s7+$0xAE00];
	v22 =	vadd.f32 v22, v27;
	v27 =	vmul.f32 v9, v9;
	v59 =	vpop (erf)  }
0x155: {  	(erf) = vrcp.f32 v25;
	v60 =	vpop (erf);
	v20 =	vmul.f32 v59, v20  }
0x156: {  	v61 =	vmul.f32 v60, v18;
	v22 =	vmul.f32 $5.000000000e-01, v22;
	v62 =	vpop (erf)  }
0x157: {  	(erf) = vrcp.f32 v27;
	v27 =	vmul.f32 v62, v14  }
0x158: {  	v20 =	vadd.f32 v20, v28  }
0x159: {  	v24 =	vadd.f32 v61, v24;
	v15 =	vmul.f32 v22, v15;
	v22 =	vmax.f32 v4, $1.000000000e+00  }
0x15a: {  	(erf) = vrcp.f32 v58;
	v20 =	vmul.f32 $5.000000000e-01, v20;
	v26 =	vadd.f32 v27, v26  }
0x15b: {  	vm4 =	vge.f32 v22, $2.560000000e+02;
	vm5 =	vge.f32 v22, $6.553600000e+04;
	v24 =	vmul.f32 $5.000000000e-01, v24;
	v27 =	vpop (erf)  }
0x15c: {  	(erf) = vrcp.f32 v15;
	v15 =	vsel vm4, $0x41800000, v0;
	v63 =	vmul.f32 $5.000000000e-01, v26;
	v28 =	vpop (erf)  }
0x15d: {  	v15 =	vsel vm5, $0x43800000, v15;
	(erf) = vrcp.f32 v24;
	v26 =	vmul.f32 v28, v21  }
0x15e: {  	vm2 =	vmmov vm2;
	v23 =	vmul.f32 v23, v30;
	v28 =	vmul.f32 v15, v15  }
0x15f: {  	v13 =	vmul.f32 v20, v13;
	(erf) = vrcp.f32 v63;
	v26 =	vadd.f32 v26, v29;
	v29 =	vpop (erf)  }
0x160: {  	vm1 =	vmmov vm1;
	(erf) = vrcp.f32 v28;
	v28 =	vmul.f32 v29, v19  }
0x161: {  	vm6 =	vgt.f32 v30, $0.0e+00;
	v27 =	vmul.f32 v27, v16;
	v20 =	vpop (erf);
	(erf) = vrcp.f32 v13  }
0x162: {  	v30 =	vmul.f32 $5.000000000e-01, v26;
	v20 =	vmul.f32 v20, v55;
	v13 =	vadd.f32 v28, v25  }
0x163: {  	vm2 =	vmmov vm2;
	vm0 =	vmmov vm0;
	v26 =	vadd.f32 v27, v31  }
0x164: {  	vm4 =	vmmov vm1;
	v25 =	vpop (erf);
	(erf) = vrcp.f32 v30;
	v31 =	vmul.f32 $9.000000350e-02, v20  }
0x165: {  	[tilespmem:s16+$0xB080] =	vst v23;
	vm1 =	vgt.f32 v5, $0.0e+00;
	v29 =	vmul.f32 $5.000000000e-01, v26;
	v23 =	vmul.f32 v25, v17;
	v5 =	vpop (erf)  }
0x166: {  	v27 =	vmul.f32 $5.000000000e-01, v13;
	v28 =	vnsel vm1, $0x0, v5;
	v26 =	vadd.f32 $1.600000020e+00, v31;
	v13 =	vpop (erf)  }
0x167: {  	v5 =	vld [tilespmem:s13+$0xAB80];
	(erf) = vrcp.f32 v29;
	v23 =	vadd.f32 v23, v58;
	v13 =	vmul.f32 v13, v18  }
0x168: {  	vm5 =	vmmov vm3;
	vm3 =	vmmov vm2;
	(erf) = vrcp.f32 v27  }
0x169: {  	v25 =	vpop (erf);
	(erf) = vrcp.f32 v26;
	v23 =	vmul.f32 $5.000000000e-01, v23;
	v13 =	vadd.f32 v13, v24  }
0x16a: {  	vm2 =	vmmov vm0;
	vm0 =	vmmov vm6;
	v25 =	vmul.f32 v25, v14;
	v31 =	vpop (erf)  }
0x16b: {  	vm1 =	vmmov vm5;
	v22 =	vmul.f32 v31, v22;
	(erf) = vrcp.f32 v23  }
0x16c: {  	v31 =	vpop (erf);
	v32 =	vadd.f32 v25, v63;
	v24 =	vmax.f32 v5, $1.000000000e+00;
	v25 =	vmul.f32 $5.000000000e-01, v13  }
0x16d: {  	v33 =	vmul.f32 $9.000000350e-02, v22;
	vm5 =	vge.f32 v24, $6.553600000e+04;
	vm6 =	vge.f32 v24, $2.560000000e+02;
	v13 =	vpop (erf)  }
0x16e: {  	s12 =	simm.s32 $0x280;
	s8 =	simm.s32 $0x2C0;
	[tilespmem:s13+$0xAB80] =	vst v28;
	(erf) = vrcp.f32 v25;
	v34 =	vmul.f32 v13, v21;
	v21 =	vsel vm6, $0x41800000, v0  }
.LBB2_4:
0x16f: {  	p1 =	sne.s32 s8, $0x9C0;
	s9 =	sshra.s32 s12, $0x2;
	v33 =	vadd.f32 $1.600000020e+00, v33;
	v21 =	vsel vm5, $0x43800000, v21;
	v32 =	vmul.f32 $5.000000000e-01, v32;
	v13 =	vmovc v22;
	s12 =	smov.u32 s8  }
0x170: {  	v28 =	vmul.f32 v28, v5;
	v22 =	vld [tilespmem:s9+$0xAE00];
	v30 =	vadd.f32 v34, v30;
	v34 =	vmul.f32 v21, v21;
	v35 =	vpop (erf)  }
0x171: {  	vm5 =	vgt.f32 v5, $0.0e+00;
	(erf) = vrcp.f32 v33;
	v36 =	vpop (erf);
	v5 =	vmul.f32 v35, v16  }
0x172: {  	v35 =	vmul.f32 v36, v19;
	v30 =	vmul.f32 $5.000000000e-01, v30;
	[tilespmem:s13+$0xB080] =	vst v28;
	v16 =	vpop (erf);
	v28 =	vnsel vm4, $0x0, v31  }
0x173: {  	(erf) = vrcp.f32 v34;
	v31 =	vmul.f32 v16, v20;
	v5 =	vadd.f32 v5, v29;
	[tilespmem:s10+$0xB300] =	vst v28;
	v16 =	vmovc v17;
	s10 =	smov.u32 s22;
	s22 =	smov.u32 s18;
	s18 =	smov.u32 s17  }
0x174: {  	s17 =	smov.u32 s16;
	s16 =	smov.u32 s13;
	s13 =	smov.u32 s14;
	v29 =	vadd.f32 v35, v27;
	v30 =	vmul.f32 v30, v11;
	(erf) = vrcp.f32 v32;
	v11 =	vmovc v10;
	v10 =	vmovc v12  }
0x175: {  	s14 =	smov.u32 s15;
	s15 =	smov.u32 s21;
	s21 =	smov.u32 s7;
	v34 =	vmax.f32 v22, $1.000000000e+00;
	v26 =	vadd.f32 v31, v26;
	v28 =	vpop (erf);
	v5 =	vmul.f32 $5.000000000e-01, v5  }
0x176: {  	v17 =	vmovc v14;
	s7 =	smov.u32 s9;
	v12 =	vmovc v15;
	vm4 =	vge.f32 v34, $2.560000000e+02;
	v31 =	vmul.f32 $5.000000000e-01, v29;
	(erf) = vrcp.f32 v30  }
0x177: {  	vm6 =	vge.f32 v34, $6.553600000e+04;
	v29 =	vsel vm4, $0x41800000, v0;
	v27 =	vpop (erf);
	v35 =	vmul.f32 $5.000000000e-01, v26  }
0x178: {  	v14 =	vmovc v20;
	v15 =	vsel vm6, $0x43800000, v29;
	(erf) = vrcp.f32 v31;
	v26 =	vmul.f32 v27, v18  }
0x179: {  	vm4 =	vmmov vm3;
	v29 =	vmul.f32 v15, v15;
	(erf) = vrcp.f32 v35  }
0x17a: {  	v5 =	vmul.f32 v5, v8;
	v27 =	vpop (erf);
	v25 =	vadd.f32 v26, v25;
	v26 =	vmul.f32 v28, v16  }
0x17b: {  	v8 =	vmovc v7;
	v7 =	vmovc v6;
	v6 =	vmov v9;
	v9 =	vmov v21;
	(erf) = vrcp.f32 v29  }
0x17c: {  	v21 =	vmul.f32 v27, v13;
	v30 =	vmul.f32 $5.000000000e-01, v25;
	v20 =	vpop (erf);
	v23 =	vadd.f32 v26, v23  }
0x17d: {  	vm3 =	vmmov vm2;
	v20 =	vmul.f32 v20, v24;
	v24 =	vpop (erf);
	(erf) = vrcp.f32 v5  }
0x17e: {  	v5 =	vadd.f32 v21, v33;
	(erf) = vrcp.f32 v30;
	v21 =	vmul.f32 v24, v17  }
0x17f: {  	vm2 =	vgt.f32 v3, $0.0e+00;
	v29 =	vmul.f32 $5.000000000e-01, v23;
	v3 =	vpop (erf);
	v25 =	vmul.f32 $9.000000350e-02, v20  }
0x180: {  	v27 =	vmul.f32 $5.000000000e-01, v5;
	v28 =	vnsel vm2, $0x0, v3;
	v21 =	vadd.f32 v21, v32;
	v3 =	vmovc v1;
	v1 =	vmovc v2  }
0x181: {  	v2 =	vmov v4;
	v23 =	vpop (erf);
	v5 =	vld [tilespmem:s13+$0xAB80];
	[tilespmem:s13+$0xAB80] =	vst v28;
	v26 =	vadd.f32 $1.600000020e+00, v25;
	(erf) = vrcp.f32 v29  }
0x182: {  	v4 =	vmov v22;
	(erf) = vrcp.f32 v27;
	v23 =	vmul.f32 v23, v19;
	v24 =	vpop (erf)  }
0x183: {  	vm2 =	vmmov vm1;
	(erf) = vrcp.f32 v26;
	v24 =	vmul.f32 v24, v14  }
.Ltmp1:
0x184: {  	vm1 =	vmmov vm0;
	v22 =	vpop (erf);
	v25 =	vadd.f32 v23, v31;
	v23 =	vmul.f32 $5.000000000e-01, v21;
	(pc) =	sbr.rel @p1 .LBB2_4-.Ltmp1, $4  }
0x185: {  	vm0 =	vmmov vm5;
	v22 =	vmul.f32 v22, v34;
	v32 =	vadd.f32 v24, v35  }
0x186: {  	v25 =	vmul.f32 $5.000000000e-01, v25;
	v24 =	vmax.f32 v5, $1.000000000e+00;
	(erf) = vrcp.f32 v23;
	v31 =	vpop (erf)  }
0x187: {  	v33 =	vmul.f32 $9.000000350e-02, v22;
	v21 =	vpop (erf);
	vm5 =	vge.f32 v24, $6.553600000e+04;
	vm6 =	vge.f32 v24, $2.560000000e+02  }
0x188: {  	s8 =	sadd.s32 $0x40, s8;
	(erf) = vrcp.f32 v25;
	v34 =	vmul.f32 v21, v18;
	v21 =	vsel vm6, $0x41800000, v0;
	v18 =	vmovc v19;
	v19 =	vmovc v13  }
0x189: {  	s8 =	sshra.s32 s12, $0x2;
	v33 =	vadd.f32 $1.600000020e+00, v33;
	v21 =	vsel vm5, $0x43800000, v21  }
0x18a: {  	v32 =	vmul.f32 $5.000000000e-01, v32;
	v13 =	vld [tilespmem:s8+$0xAE00];
	v35 =	vpop (erf);
	v30 =	vadd.f32 v34, v30;
	v58 =	vmul.f32 v21, v21  }
0x18b: {  	(erf) = vrcp.f32 v33;
	v36 =	vpop (erf);
	v16 =	vmul.f32 v35, v16  }
0x18c: {  	v59 =	vmul.f32 v36, v19;
	v30 =	vmul.f32 $5.000000000e-01, v30;
	v60 =	vpop (erf)  }
0x18d: {  	(erf) = vrcp.f32 v58;
	v61 =	vmul.f32 v60, v20;
	v16 =	vadd.f32 v16, v29  }
0x18e: {  	(erf) = vrcp.f32 v32;
	v27 =	vadd.f32 v59, v27;
	v11 =	vmul.f32 v30, v11  }
0x18f: {  	v62 =	vmax.f32 v13, $1.000000000e+00;
	v26 =	vadd.f32 v61, v26;
	v16 =	vmul.f32 $5.000000000e-01, v16  }
0x190: {  	v63 =	vpop (erf);
	vm10 =	vge.f32 v62, $2.560000000e+02;
	v27 =	vmul.f32 $5.000000000e-01, v27;
	(erf) = vrcp.f32 v11  }
0x191: {  	vm6 =	vge.f32 v62, $6.553600000e+04;
	v40 =	vsel vm10, $0x41800000, v0;
	v41 =	vpop (erf);
	v26 =	vmul.f32 $5.000000000e-01, v26  }
0x192: {  	v11 =	vsel vm6, $0x43800000, v40;
	(erf) = vrcp.f32 v27;
	v34 =	vmul.f32 v41, v18  }
0x193: {  	v30 =	vmul.f32 v63, v17;
	v42 =	vmul.f32 v11, v11  }
0x194: {  	v8 =	vmul.f32 v16, v8;
	(erf) = vrcp.f32 v26;
	v43 =	vpop (erf);
	v25 =	vadd.f32 v34, v25  }
0x195: {  	v30 =	vadd.f32 v30, v23;
	(erf) = vrcp.f32 v42;
	v44 =	vmul.f32 v43, v22  }
0x196: {  	v28 =	vmul.f32 v28, v5;
	v25 =	vmul.f32 $5.000000000e-01, v25  }
0x197: {  	v30 =	vmul.f32 $5.000000000e-01, v30;
	v45 =	vpop (erf);
	(erf) = vrcp.f32 v8;
	v46 =	vadd.f32 v44, v33  }
0x198: {  	v50 =	vnsel vm4, $0x0, v31;
	[tilespmem:s13+$0xB080] =	vst v28;
	v23 =	vmul.f32 v45, v24;
	v47 =	vpop (erf);
	(erf) = vrcp.f32 v25  }
0x199: {  	[tilespmem:s10+$0xB300] =	vst v50;
	v49 =	vmul.f32 $5.000000000e-01, v46  }
0x19a: {  	v8 =	vld [tilespmem:s14+$0xAB80];
	v24 =	vmul.f32 $9.000000350e-02, v23;
	v48 =	vpop (erf);
	(erf) = vrcp.f32 v30  }
0x19b: {  	v16 =	vmul.f32 v47, v14;
	v51 =	vpop (erf);
	(erf) = vrcp.f32 v49  }
0x19c: {  	v52 =	vadd.f32 $1.600000020e+00, v24;
	v53 =	vmul.f32 v51, v19  }
0x19d: {  	v16 =	vadd.f32 v16, v32;
	v54 =	vpop (erf)  }
0x19e: {  	(erf) = vrcp.f32 v52;
	v55 =	vpop (erf);
	v27 =	vadd.f32 v53, v27  }
0x19f: {  	v56 =	vmul.f32 $5.000000000e-01, v16;
	v59 =	vmax.f32 v8, $1.000000000e+00;
	v24 =	vmul.f32 v55, v62  }
0x1a0: {  	vm11 =	vge.f32 v59, $2.560000000e+02;
	v28 =	vmul.f32 v54, v20;
	v57 =	vpop (erf);
	v27 =	vmul.f32 $5.000000000e-01, v27  }
0x1a1: {  	vm12 =	vge.f32 v59, $6.553600000e+04;
	(erf) = vrcp.f32 v56;
	v58 =	vmul.f32 $9.000000350e-02, v24;
	v60 =	vpop (erf)  }
0x1a2: {  	v63 =	vsel vm11, $0x41800000, v0;
	(erf) = vrcp.f32 v27;
	v61 =	vmul.f32 v60, v18  }
0x1a3: {  	v16 =	vsel vm12, $0x43800000, v63;
	v26 =	vadd.f32 v28, v26;
	v37 =	vpop (erf)  }
0x1a4: {  	v39 =	vmul.f32 v16, v16;
	v62 =	vadd.f32 $1.600000020e+00, v58;
	v18 =	vadd.f32 v61, v25;
	v38 =	vpop (erf)  }
0x1a5: {  	v26 =	vmul.f32 $5.000000000e-01, v26;
	v25 =	vmul.f32 v38, v22  }
0x1a6: {  	(erf) = vrcp.f32 v62;
	v18 =	vmul.f32 $5.000000000e-01, v18  }
0x1a7: {  	v40 =	vmul.f32 v37, v17;
	v41 =	vpop (erf);
	(erf) = vrcp.f32 v39;
	v25 =	vadd.f32 v25, v49  }
0x1a8: {  	v28 =	vmul.f32 v41, v23;
	v10 =	vmul.f32 v18, v10  }
0x1a9: {  	(erf) = vrcp.f32 v26;
	v42 =	vmul.f32 $5.000000000e-01, v25  }
0x1aa: {  	vm13 =	vgt.f32 v3, $0.0e+00;
	v3 =	vpop (erf);
	(erf) = vrcp.f32 v10  }
0x1ab: {  	v17 =	vadd.f32 v40, v30;
	v28 =	vadd.f32 v28, v52;
	v44 =	vpop (erf);
	(erf) = vrcp.f32 v42  }
0x1ac: {  	v10 =	vmul.f32 v44, v19  }
0x1ad: {  	v17 =	vmul.f32 $5.000000000e-01, v17;
	v28 =	vmul.f32 $5.000000000e-01, v28  }
0x1ae: {  	v3 =	vmul.f32 v3, v14;
	v10 =	vadd.f32 v10, v27  }
0x1af: {  	vm3 =	vmmov vm3;
	v7 =	vmul.f32 v17, v7;
	v46 =	vpop (erf);
	(erf) = vrcp.f32 v28  }
0x1b0: {  	v43 =	vnsel vm13, $0x0, v48;
	v47 =	vmul.f32 v46, v24;
	v27 =	vmul.f32 $5.000000000e-01, v10  }
0x1b1: {  	v45 =	vmul.f32 v43, v8;
	v3 =	vadd.f32 v3, v56;
	(erf) = vrcp.f32 v7;
	v50 =	vpop (erf)  }
0x1b2: {  	[tilespmem:s14+$0xAB80] =	vst v43;
	v52 =	vpop (erf);
	v10 =	vmul.f32 v50, v59;
	v48 =	vadd.f32 v47, v62;
	(erf) = vrcp.f32 v27  }
0x1b3: {  	[tilespmem:s14+$0xB080] =	vst v45;
	v49 =	vnsel vm3, $0x0, v57;
	v51 =	vmul.f32 $5.000000000e-01, v3;
	v55 =	vmul.f32 v52, v20;
	v54 =	vpop (erf)  }
0x1b4: {  	[tilespmem:s22+$0xB300] =	vst v49;
	v57 =	vmul.f32 $9.000000350e-02, v10;
	v53 =	vmul.f32 $5.000000000e-01, v48;
	v56 =	vpop (erf)  }
0x1b5: {  	v3 =	vld [tilespmem:s15+$0xAB80];
	(erf) = vrcp.f32 v51;
	v29 =	vmul.f32 v56, v22  }
0x1b6: {  	v7 =	vadd.f32 v55, v26;
	(erf) = vrcp.f32 v53  }
0x1b7: {  	v58 =	vadd.f32 $1.600000020e+00, v57;
	v18 =	vadd.f32 v29, v42  }
0x1b8: {  	v60 =	vmul.f32 $5.000000000e-01, v7  }
0x1b9: {  	(erf) = vrcp.f32 v58;
	v59 =	vpop (erf);
	v18 =	vmul.f32 $5.000000000e-01, v18  }
0x1ba: {  	v61 =	vmax.f32 v3, $1.000000000e+00;
	v62 =	vpop (erf);
	(erf) = vrcp.f32 v60  }
0x1bb: {  	vm14 =	vge.f32 v61, $2.560000000e+02;
	v63 =	vpop (erf);
	(erf) = vrcp.f32 v18  }
0x1bc: {  	vm15 =	vge.f32 v61, $6.553600000e+04;
	v36 =	vsel vm14, $0x41800000, v0  }
0x1bd: {  	v7 =	vsel vm15, $0x43800000, v36;
	v37 =	vmul.f32 v63, v19  }
0x1be: {  	v34 =	vmul.f32 v7, v7;
	v29 =	vmul.f32 v59, v23;
	v38 =	vpop (erf)  }
0x1bf: {  	v19 =	vadd.f32 v37, v27;
	v39 =	vpop (erf)  }
0x1c0: {  	v28 =	vadd.f32 v29, v28;
	(erf) = vrcp.f32 v34;
	v27 =	vmul.f32 v39, v24  }
0x1c1: {  	v19 =	vmul.f32 $5.000000000e-01, v19  }
0x1c2: {  	v28 =	vmul.f32 $5.000000000e-01, v28;
	v40 =	vmul.f32 v38, v14;
	v41 =	vpop (erf);
	v27 =	vadd.f32 v27, v53  }
0x1c3: {  	vm7 =	vgt.f32 v1, $0.0e+00;
	v42 =	vpop (erf);
	v12 =	vmul.f32 v19, v12;
	v19 =	vmul.f32 v41, v10  }
0x1c4: {  	(erf) = vrcp.f32 v28;
	v1 =	vadd.f32 v40, v51;
	v27 =	vmul.f32 $5.000000000e-01, v27;
	v43 =	vpop (erf)  }
0x1c5: {  	(erf) = vrcp.f32 v12;
	v45 =	vadd.f32 v19, v58;
	v12 =	vmul.f32 v43, v22  }
0x1c6: {  	v1 =	vmul.f32 $5.000000000e-01, v1;
	(erf) = vrcp.f32 v27  }
0x1c7: {  	v17 =	vmul.f32 $5.000000000e-01, v45;
	v12 =	vadd.f32 v12, v18  }
0x1c8: {  	v1 =	vmul.f32 v1, v6  }
0x1c9: {  	v48 =	vpop (erf);
	(erf) = vrcp.f32 v17;
	v49 =	vmul.f32 $5.000000000e-01, v12  }
0x1ca: {  	(erf) = vrcp.f32 v1  }
0x1cb: {  	v44 =	vnsel vm7, $0x0, v54;
	v47 =	vmul.f32 v42, v20;
	(erf) = vrcp.f32 v49  }
0x1cc: {  	vm2 =	vmmov vm2;
	v46 =	vmul.f32 v44, v3;
	v6 =	vmul.f32 v48, v61  }
0x1cd: {  	vm2 =	vmmov vm2;
	[tilespmem:s15+$0xAB80] =	vst v44;
	v50 =	vadd.f32 v47, v60;
	v53 =	vpop (erf)  }
0x1ce: {  	[tilespmem:s15+$0xB080] =	vst v46;
	v51 =	vnsel vm2, $0x0, v62;
	v52 =	vmul.f32 $9.000000350e-02, v6;
	v55 =	vpop (erf)  }
0x1cf: {  	[tilespmem:s18+$0xB300] =	vst v51;
	v54 =	vmul.f32 $5.000000000e-01, v50;
	v56 =	vmul.f32 v53, v23;
	v57 =	vpop (erf)  }
0x1d0: {  	v1 =	vld [tilespmem:s21+$0xAB80];
	v19 =	vadd.f32 $1.600000020e+00, v52;
	v18 =	vmul.f32 v57, v24  }
0x1d1: {  	v12 =	vadd.f32 v56, v28;
	(erf) = vrcp.f32 v54  }
0x1d2: {  	(erf) = vrcp.f32 v19;
	v18 =	vadd.f32 v18, v27;
	v60 =	vpop (erf)  }
0x1d3: {  	v58 =	vmul.f32 $5.000000000e-01, v12;
	v61 =	vpop (erf)  }
0x1d4: {  	v18 =	vmul.f32 $5.000000000e-01, v18;
	v36 =	vpop (erf)  }
0x1d5: {  	v59 =	vmax.f32 v1, $1.000000000e+00;
	(erf) = vrcp.f32 v58;
	v37 =	vmul.f32 v36, v22  }
0x1d6: {  	vm8 =	vge.f32 v59, $2.560000000e+02;
	(erf) = vrcp.f32 v18  }
0x1d7: {  	vm9 =	vge.f32 v59, $6.553600000e+04;
	v62 =	vsel vm8, $0x41800000, v0;
	v14 =	vadd.f32 v37, v49  }
0x1d8: {  	v12 =	vsel vm9, $0x43800000, v62;
	v63 =	vmul.f32 v60, v10  }
0x1d9: {  	v30 =	vmul.f32 v12, v12;
	v14 =	vmul.f32 $5.000000000e-01, v14  }
0x1da: {  	v17 =	vadd.f32 v63, v17;
	v38 =	vpop (erf)  }
0x1db: {  	vm10 =	vgt.f32 v2, $0.0e+00;
	(erf) = vrcp.f32 v30;
	v39 =	vpop (erf);
	v2 =	vmul.f32 v14, v15  }
0x1dc: {  	v17 =	vmul.f32 $5.000000000e-01, v17;
	v22 =	vmul.f32 v39, v6;
	_ =	sdelay $0x1  }
0x1dd: {  	(erf) = vrcp.f32 v17;
	v19 =	vadd.f32 v22, v19;
	v42 =	vpop (erf)  }
0x1de: {  	vm1 =	vmmov vm1;
	v40 =	vmul.f32 v38, v20;
	(erf) = vrcp.f32 v2;
	v2 =	vpop (erf)  }
0x1df: {  	v41 =	vnsel vm10, $0x0, v55;
	v19 =	vmul.f32 $5.000000000e-01, v19;
	v2 =	vmul.f32 v2, v24  }
0x1e0: {  	vm1 =	vmmov vm1;
	v43 =	vmul.f32 v41, v1;
	v20 =	vadd.f32 v40, v54  }
0x1e1: {  	vm1 =	vmmov vm1;
	[tilespmem:s21+$0xAB80] =	vst v41;
	(erf) = vrcp.f32 v19  }
0x1e2: {  	[tilespmem:s21+$0xB080] =	vst v43;
	v44 =	vnsel vm1, $0x0, v61;
	v20 =	vmul.f32 $5.000000000e-01, v20  }
0x1e3: {  	[tilespmem:s17+$0xB300] =	vst v44;
	v15 =	vmul.f32 v42, v23;
	v18 =	vadd.f32 v2, v18;
	v2 =	vpop (erf)  }
0x1e4: {  	v9 =	vmul.f32 v20, v9;
	v14 =	vmul.f32 v2, v59;
	v2 =	vld [tilespmem:s7+$0xAB80]  }
0x1e5: {  	v15 =	vadd.f32 v15, v58;
	v18 =	vmul.f32 $5.000000000e-01, v18  }
0x1e6: {  	(erf) = vrcp.f32 v9;
	v45 =	vmul.f32 $9.000000350e-02, v14  }
0x1e7: {  	v15 =	vmul.f32 $5.000000000e-01, v15;
	v46 =	vpop (erf);
	(erf) = vrcp.f32 v18  }
0x1e8: {  	v20 =	vmul.f32 v46, v10;
	v47 =	vadd.f32 $1.600000020e+00, v45  }
0x1e9: {  	v48 =	vpop (erf);
	(erf) = vrcp.f32 v15;
	v49 =	vmax.f32 v2, $1.000000000e+00  }
0x1ea: {  	v50 =	vadd.f32 v20, v17;
	v51 =	vpop (erf);
	(erf) = vrcp.f32 v47;
	vm11 =	vge.f32 v49, $2.560000000e+02  }
0x1eb: {  	v17 =	vmul.f32 v51, v6;
	vm12 =	vge.f32 v49, $6.553600000e+04;
	v52 =	vsel vm11, $0x41800000, v0  }
0x1ec: {  	v53 =	vmul.f32 $5.000000000e-01, v50;
	v9 =	vsel vm12, $0x43800000, v52  }
0x1ed: {  	v17 =	vadd.f32 v17, v19;
	v54 =	vmul.f32 v9, v9  }
0x1ee: {  	(erf) = vrcp.f32 v53  }
0x1ef: {  	vm0 =	vmmov vm0;
	v55 =	vpop (erf);
	v17 =	vmul.f32 $5.000000000e-01, v17;
	(erf) = vrcp.f32 v54  }
0x1f0: {  	vm0 =	vmmov vm0;
	v56 =	vpop (erf)  }
0x1f1: {  	vm13 =	vgt.f32 v4, $0.0e+00;
	v57 =	vmul.f32 v56, v24;
	(erf) = vrcp.f32 v17  }
0x1f2: {  	vm0 =	vmmov vm0;
	v58 =	vnsel vm13, $0x0, v48;
	v59 =	vpop (erf)  }
0x1f3: {  	v60 =	vmul.f32 v58, v2;
	v23 =	vmul.f32 v59, v23;
	v4 =	vadd.f32 v57, v18;
	v61 =	vpop (erf)  }
0x1f4: {  	vm0 =	vmmov vm0;
	[tilespmem:s7+$0xAB80] =	vst v58;
	v62 =	vmul.f32 v61, v14  }
0x1f5: {  	[tilespmem:s7+$0xB080] =	vst v60;
	v63 =	vnsel vm0, $0x0, v55;
	v15 =	vadd.f32 v23, v15;
	v4 =	vmul.f32 $5.000000000e-01, v4  }
0x1f6: {  	[tilespmem:s16+$0xB300] =	vst v63;
	v23 =	vadd.f32 v62, v47  }
0x1f7: {  	v24 =	vpop (erf);
	v15 =	vmul.f32 $5.000000000e-01, v15;
	v11 =	vmul.f32 v4, v11;
	v4 =	vld [tilespmem:s8+$0xAB80]  }
0x1f8: {  	v19 =	vmul.f32 v24, v10;
	v18 =	vmul.f32 $5.000000000e-01, v23;
	v25 =	vpop (erf)  }
0x1f9: {  	(erf) = vrcp.f32 v11;
	v28 =	vmul.f32 v25, v49  }
0x1fa: {  	v15 =	vmul.f32 v15, v21;
	v19 =	vadd.f32 v19, v53;
	v29 =	vpop (erf);
	(erf) = vrcp.f32 v18  }
0x1fb: {  	v20 =	vmul.f32 v29, v6;
	v30 =	vmul.f32 $9.000000350e-02, v28  }
0x1fc: {  	v31 =	vmul.f32 $5.000000000e-01, v19;
	v32 =	vmax.f32 v4, $1.000000000e+00;
	(erf) = vrcp.f32 v15  }
0x1fd: {  	vm14 =	vge.f32 v32, $2.560000000e+02;
	v17 =	vadd.f32 v20, v17;
	v33 =	vadd.f32 $1.600000020e+00, v30  }
0x1fe: {  	vm15 =	vge.f32 v32, $6.553600000e+04;
	(erf) = vrcp.f32 v31;
	v34 =	vsel vm14, $0x41800000, v0  }
0x1ff: {  	v21 =	vsel vm15, $0x43800000, v34;
	v17 =	vmul.f32 $5.000000000e-01, v17;
	(erf) = vrcp.f32 v33  }
0x200: {  	v35 =	vmul.f32 v21, v21  }
0x201: {  	(erf) = vrcp.f32 v17  }
0x202: {  	(erf) = vrcp.f32 v35  }
0x203: {  	v36 =	vpop (erf)  }
0x204: {  	v37 =	vpop (erf)  }
0x205: {  	v23 =	vmul.f32 v37, v14  }
0x206: {  	v38 =	vpop (erf)  }
0x207: {  	v39 =	vpop (erf);
	v18 =	vadd.f32 v23, v18  }
0x208: {  	v10 =	vmul.f32 v39, v10;
	v40 =	vpop (erf)  }
0x209: {  	v18 =	vmul.f32 $5.000000000e-01, v18;
	v23 =	vmul.f32 v40, v28  }
0x20a: {  	v10 =	vadd.f32 v10, v31;
	v41 =	vpop (erf)  }
0x20b: {  	(erf) = vrcp.f32 v18;
	v15 =	vmul.f32 v41, v6;
	v42 =	vpop (erf);
	v20 =	vadd.f32 v23, v33  }
0x20c: {  	v10 =	vmul.f32 $5.000000000e-01, v10;
	v19 =	vmul.f32 v42, v32  }
0x20d: {  	v15 =	vadd.f32 v15, v17;
	v20 =	vmul.f32 $5.000000000e-01, v20  }
0x20e: {  	v10 =	vmul.f32 v10, v16;
	v43 =	vmul.f32 $9.000000350e-02, v19  }
0x20f: {  	v15 =	vmul.f32 $5.000000000e-01, v15;
	(erf) = vrcp.f32 v20  }
0x210: {  	v44 =	vadd.f32 $1.600000020e+00, v43;
	(erf) = vrcp.f32 v10  }
0x211: {  	(erf) = vrcp.f32 v15  }
0x212: {  	(erf) = vrcp.f32 v44;
	_ =	sdelay $0x2  }
0x213: {  	v45 =	vpop (erf)  }
0x214: {  	v16 =	vmul.f32 v45, v14;
	_ =	sdelay $0x1  }
0x215: {  	v16 =	vadd.f32 v16, v18;
	v46 =	vpop (erf)  }
0x216: {  	v17 =	vmul.f32 v46, v28;
	v47 =	vpop (erf)  }
0x217: {  	v16 =	vmul.f32 $5.000000000e-01, v16;
	v48 =	vpop (erf)  }
0x218: {  	v17 =	vadd.f32 v17, v20;
	v49 =	vpop (erf)  }
0x219: {  	(erf) = vrcp.f32 v16;
	v20 =	vmul.f32 v49, v19  }
0x21a: {  	v17 =	vmul.f32 $5.000000000e-01, v17  }
0x21b: {  	v10 =	vadd.f32 v20, v44  }
0x21c: {  	(erf) = vrcp.f32 v17  }
0x21d: {  	v10 =	vmul.f32 $5.000000000e-01, v10;
	_ =	sdelay $0x1  }
0x21e: {  	(erf) = vrcp.f32 v10  }
0x21f: {  	v6 =	vmul.f32 v48, v6;
	_ =	sdelay $0x1  }
0x220: {  	v6 =	vadd.f32 v6, v15;
	v50 =	vpop (erf)  }
0x221: {  	v15 =	vmul.f32 v50, v14  }
0x222: {  	v6 =	vmul.f32 $5.000000000e-01, v6  }
0x223: {  	v15 =	vadd.f32 v15, v16;
	v51 =	vpop (erf)  }
0x224: {  	v6 =	vmul.f32 v6, v7;
	v52 =	vmul.f32 v51, v28  }
0x225: {  	v15 =	vmul.f32 $5.000000000e-01, v15  }
0x226: {  	(erf) = vrcp.f32 v6;
	v53 =	vadd.f32 v52, v17;
	v54 =	vpop (erf)  }
0x227: {  	(erf) = vrcp.f32 v15;
	v7 =	vmul.f32 v54, v19  }
0x228: {  	v6 =	vmul.f32 $5.000000000e-01, v53  }
0x229: {  	v7 =	vadd.f32 v7, v10  }
0x22a: {  	(erf) = vrcp.f32 v6  }
0x22b: {  	v7 =	vmul.f32 $5.000000000e-01, v7;
	_ =	sdelay $0x1  }
0x22c: {  	(erf) = vrcp.f32 v7;
	_ =	sdelay $0x1  }
0x22d: {  	v55 =	vpop (erf)  }
0x22e: {  	v56 =	vpop (erf)  }
0x22f: {  	v14 =	vmul.f32 v56, v14;
	_ =	sdelay $0x1  }
0x230: {  	v14 =	vadd.f32 v14, v15;
	v57 =	vpop (erf)  }
0x231: {  	v15 =	vmul.f32 v57, v28  }
0x232: {  	v14 =	vmul.f32 $5.000000000e-01, v14  }
0x233: {  	v6 =	vadd.f32 v15, v6;
	v58 =	vpop (erf)  }
0x234: {  	v12 =	vmul.f32 v14, v12;
	v59 =	vmul.f32 v58, v19  }
0x235: {  	v6 =	vmul.f32 $5.000000000e-01, v6  }
0x236: {  	(erf) = vrcp.f32 v12;
	v7 =	vadd.f32 v59, v7  }
0x237: {  	(erf) = vrcp.f32 v6  }
0x238: {  	v7 =	vmul.f32 $5.000000000e-01, v7;
	_ =	sdelay $0x1  }
0x239: {  	(erf) = vrcp.f32 v7;
	_ =	sdelay $0x4  }
0x23a: {  	v12 =	vpop (erf)  }
0x23b: {  	v60 =	vpop (erf)  }
0x23c: {  	v11 =	vmul.f32 v60, v28;
	_ =	sdelay $0x1  }
0x23d: {  	v6 =	vadd.f32 v11, v6;
	v61 =	vpop (erf)  }
0x23e: {  	v11 =	vmul.f32 v61, v19  }
0x23f: {  	v6 =	vmul.f32 $5.000000000e-01, v6  }
0x240: {  	v7 =	vadd.f32 v11, v7  }
0x241: {  	v6 =	vmul.f32 v6, v9  }
0x242: {  	v7 =	vmul.f32 $5.000000000e-01, v7  }
0x243: {  	(erf) = vrcp.f32 v6  }
0x244: {  	(erf) = vrcp.f32 v7;
	_ =	sdelay $0x7  }
0x245: {  	v6 =	vpop (erf)  }
0x246: {  	v62 =	vpop (erf)  }
0x247: {  	v9 =	vmul.f32 v62, v19  }
0x248: {  	vm6 =	vgt.f32 v3, $0.0e+00  }
0x249: {  	vm4 =	vgt.f32 v5, $0.0e+00;
	vm2 =	vmmov vm6;
	v63 =	vadd.f32 v9, v7  }
0x24a: {  	vm5 =	vgt.f32 v8, $0.0e+00;
	vm2 =	vmmov vm2;
	vm7 =	vgt.f32 v1, $0.0e+00  }
0x24b: {  	vm3 =	vmmov vm7;
	vm1 =	vmmov vm5;
	v3 =	vmul.f32 $5.000000000e-01, v63  }
0x24c: {  	vm2 =	vmmov vm2;
	vm3 =	vmmov vm3;
	vm1 =	vmmov vm1  }
0x24d: {  	vm1 =	vmmov vm1;
	vm13 =	vmmov vm3;
	v1 =	vmul.f32 v3, v21  }
0x24e: {  	vm9 =	vgt.f32 v13, $0.0e+00;
	vm1 =	vmmov vm1;
	vm7 =	vmmov vm13  }
0x24f: {  	vm8 =	vgt.f32 v2, $0.0e+00;
	vm0 =	vmmov vm4;
	(erf) = vrcp.f32 v1  }
0x250: {  	vm11 =	vmmov vm1;
	vm12 =	vmmov vm2;
	vm0 =	vmmov vm0  }
0x251: {  	vm4 =	vmmov vm8;
	vm0 =	vmmov vm0;
	v1 =	vnsel vm9, $0x0, v36  }
0x252: {  	vm6 =	vmmov vm12;
	vm0 =	vmmov vm0;
	v2 =	vmul.f32 v1, v4  }
0x253: {  	vm0 =	vmmov vm0;
	vm10 =	vgt.f32 v4, $0.0e+00;
	vm14 =	vmmov vm4;
	[tilespmem:s8+$0xAB80] =	vst v1  }
0x254: {  	vm15 =	vmmov vm10;
	vm8 =	vmmov vm14;
	v3 =	vnsel vm0, $0x0, v38;
	[tilespmem:s8+$0xB080] =	vst v2  }
0x255: {  	vm9 =	vmmov vm15;
	v1 =	vnsel vm11, $0x0, v47;
	v2 =	vnsel vm6, $0x0, v55;
	[tilespmem:s13+$0xB300] =	vst v3  }
0x256: {  	vm10 =	vmmov vm7;
	vm11 =	vmmov vm8;
	vm12 =	vmmov vm9;
	[tilespmem:s14+$0xB300] =	vst v1  }
0x257: {  	vm13 =	vmmov vm11;
	vm14 =	vmmov vm12;
	v1 =	vnsel vm10, $0x0, v12;
	[tilespmem:s15+$0xB300] =	vst v2  }
0x258: {  	vm15 =	vmmov vm14;
	[tilespmem:s21+$0xB300] =	vst v1;
	v1 =	vnsel vm13, $0x0, v6;
	v2 =	vpop (erf)  }
0x259: {  	[tilespmem:s7+$0xB300] =	vst v1;
	v1 =	vnsel vm15, $0x0, v2  }
0x25a: {  	s17 =	simm.s32 $0xB080;
	s16 =	rddreg [dreg:$0xd];
	[tilespmem:s8+$0xB300] =	vst v1  }
0x25b: {  	[spmem:s16] =	stream.linear.scatter [tilespmem:s17], [sflag:$0x5], $0x280, $0x38;
	[tilespmem:$0xB580] =	vst v63  }
0x25c: {  	_ =	swait.ge [sflag:s25], $0x280  }
0x25d: {  	s7 =	simm.s32 @!p0 $0x0;
	[sflag:s25] =	ssyncset.done $0x0  }
0x25e: {  	s8 =	simm.s32 @!p0 $0xB300;
	s9 =	rddreg [dreg:$0xe];
	[sflag:s25] =	ssyncadd.s32 $0xFFFFFD80  }
0x25f: {  	[hbm4b:s9+s7] =	stream.linear.scatter @!p0 [tilespmem:s8], [sflag:$0x5], $0x280, $0x38;
	[tilespmem:$0xB580] =	vst v63  }
0x260: {  	s8 =	simm.s32 @!p0 $0x5  }
0x261: {  	_ =	swait.ge @!p0 [sflag:s8], $0x280  }
0x262: {  	[sflag:s8] =	ssyncset.done @!p0 $0x0  }
0x263: {  	s9 =	simm.s32 @!p0 $0xAB80;
	s10 =	rddreg [dreg:$0xf];
	[sflag:s8] =	ssyncadd.s32 @!p0 $0xFFFFFD80  }
0x264: {  	[hbm4b:s10+s7] =	stream.linear.scatter @!p0 [tilespmem:s9], [sflag:$0x5], $0x280, $0x38;
	[tilespmem:$0xB580] =	vst v63  }
0x265: {  	_ =	swait.ge @!p0 [sflag:s8], $0x280  }
0x266: {  	[sflag:s8] =	ssyncset.done @!p0 $0x0  }
0x267: {  	[sflag:s8] =	ssyncadd.s32 @!p0 $0xFFFFFD80  }
0x268: {  	[bflag:$0x0] =	sbarrier.arrive $0xFFFF  }
0x269: {  	s18 =	rddreg [dreg:$0x10]  }
0x26a: {  	[tilespmem:s31], [sflag:$0x1] =	stream.indirect.gather [spmem:s5], $0x1, s18, s26, $0xb8;
	[tilespmem:$0xB580] =	vst v63  }
0x26b: {  	s21 =	rddreg [dreg:$0x11]  }
0x26c: {  	[tilespmem:s0], [sflag:$0x2] =	stream.indirect.gather [spmem:s5], $0x1, s21, s26, $0xb8;
	[tilespmem:$0xB580] =	vst v63  }
0x26d: {  	_ =	swait.ge [sflag:s2], $0x80  }
0x26e: {  	[sflag:s2] =	ssyncset.done $0x0  }
0x26f: {  	s22 =	sadd.s32 $0x0, s23;
	[sflag:s2] =	ssyncadd.s32 $0xFFFFFF80  }
0x270: {  	[spmem:s4] =	stream.indirect.scatter.add.f32 [tilespmem:s31], [sflag:$0x3], $0x1, s22, s26, $0xb8;
	[tilespmem:$0xB580] =	vst v63  }
0x271: {  	_ =	swait.ge [sflag:s6], $0x80  }
0x272: {  	[sflag:s6] =	ssyncset.done $0x0  }
0x273: {  	s7 =	sadd.s32 $0x80, s22;
	s8 =	sadd.s32 $0xFFFFFFFF, s24;
	[sflag:s6] =	ssyncadd.s32 $0xFFFFFF80  }
0x274: {  	[spmem:s4] =	stream.indirect.scatter.add.f32 [tilespmem:s0], [sflag:$0x4], $0x1, s7, s26, $0xb8;
	[tilespmem:$0xB580] =	vst v63  }
0x275: {  	p1 =	slt.s32 s8, s20;
	s7 =	smov.u32 s20  }
0x276: {  	s7 =	smov.u32 @p1 s8;
	_ =	swait.ge [sflag:s29], $0x80  }
0x277: {  	p1 =	slt.s32 s24, s19;
	s8 =	smov.u32 s19;
	s7 =	sshll.u32 s7, $0x7  }
0x278: {  	[sflag:s29] =	ssyncset.done $0x0;
	s8 =	smov.u32 @p1 s24;
	s7 =	sand.u32 $0x3FFFFF80, s7  }
0x279: {  	[sflag:s29] =	ssyncadd.s32 $0xFFFFFF80;
	s8 =	sshll.u32 s8, $0x7;
	s7 =	sadd.s32 $0xA00, s7  }
0x27a: {  	[tilespmem:s31], [sflag:$0x1] =	stream.indirect.gather [spmem:s5], $0x1, s7, s26, $0xb8;
	[tilespmem:$0xB580] =	vst v63  }
0x27b: {  	s10 =	sand.u32 $0x3FFFFF80, s8;
	_ =	swait.ge [sflag:s30], $0x80  }
0x27c: {  	s8 =	smov.u32 s24;
	s7 =	simm.s32 $0x400;
	[sflag:s30] =	ssyncset.done $0x0  }
.LBB2_6:
0x27d: {  	[sflag:s30] =	ssyncadd.s32 $0xFFFFFF80  }
0x27e: {  	s9 =	sadd.s32 $0xA00, s10;
	s8 =	sadd.s32 $0x2, s8;
	s10 =	smov.u32 s7  }
0x27f: {  	[tilespmem:s0], [sflag:$0x2] =	stream.indirect.gather [spmem:s5], $0x1, s9, s26, $0xb8;
	[tilespmem:$0xB580] =	vst v63  }
0x280: {  	p1 =	sne.s32 s7, $0x9C00;
	s7 =	sadd.s32 $0x400, s7;
	_ =	swait.ge [sflag:s2], $0x80  }
0x281: {  	s9 =	sshra.s32 s10, $0x2;
	[sflag:s2] =	ssyncset.done $0x0  }
0x282: {  	s9 =	sadd.s32 s9, s23;
	[sflag:s2] =	ssyncadd.s32 $0xFFFFFF80  }
0x283: {  	[spmem:s4] =	stream.indirect.scatter.add.f32 [tilespmem:s31], [sflag:$0x3], $0x1, s9, s26, $0xb8;
	[tilespmem:$0xB580] =	vst v63  }
0x284: {  	_ =	swait.ge [sflag:s6], $0x80  }
0x285: {  	s10 =	sadd.s32 $0xFFFFFFFF, s8;
	[sflag:s6] =	ssyncset.done $0x0  }
0x286: {  	p2 =	slt.s32 s10, s20;
	s9 =	sadd.s32 $0x80, s9;
	[sflag:s6] =	ssyncadd.s32 $0xFFFFFF80  }
0x287: {  	[spmem:s4] =	stream.indirect.scatter.add.f32 [tilespmem:s0], [sflag:$0x4], $0x1, s9, s26, $0xb8;
	[tilespmem:$0xB580] =	vst v63  }
0x288: {  	s9 =	smov.u32 s20  }
0x289: {  	_ =	swait.ge [sflag:s29], $0x80;
	s9 =	smov.u32 @p2 s10;
	p2 =	slt.s32 s8, s19  }
0x28a: {  	s10 =	smov.u32 s19;
	[sflag:s29] =	ssyncset.done $0x0;
	s9 =	sshll.u32 s9, $0x7  }
.Ltmp2:
0x28b: {  	[sflag:s29] =	ssyncadd.s32 $0xFFFFFF80;
	s9 =	sand.u32 $0x3FFFFF80, s9;
	(pc) =	sbr.rel @p1 .LBB2_6-.Ltmp2, $4  }
0x28c: {  	s10 =	smov.u32 @p2 s8;
	s9 =	sadd.s32 $0xA00, s9  }
0x28d: {  	[tilespmem:s31], [sflag:$0x1] =	stream.indirect.gather [spmem:s5], $0x1, s9, s26, $0xb8;
	[tilespmem:$0xB580] =	vst v63  }
0x28e: {  	s9 =	sshll.u32 s10, $0x7;
	_ =	swait.ge [sflag:s30], $0x80  }
0x28f: {  	s10 =	sand.u32 $0x3FFFFF80, s9;
	[sflag:s30] =	ssyncset.done $0x0  }
0x290: {  	[sflag:s30] =	ssyncadd.s32 $0xFFFFFF80;
	s7 =	sadd.s32 $0xA00, s10  }
0x291: {  	[tilespmem:s0], [sflag:$0x2] =	stream.indirect.gather [spmem:s5], $0x1, s7, s26, $0xb8;
	[tilespmem:$0xB580] =	vst v63  }
0x292: {  	_ =	swait.ge [sflag:s2], $0x80  }
0x293: {  	[sflag:s2] =	ssyncset.done $0x0  }
0x294: {  	[sflag:s2] =	ssyncadd.s32 $0xFFFFFF80  }
0x295: {  	_ =	swait.ge [sflag:s6], $0x80  }
0x296: {  	[sflag:s6] =	ssyncset.done $0x0  }
0x297: {  	[sflag:s6] =	ssyncadd.s32 $0xFFFFFF80  }
0x298: {  	[bflag:$0x0] =	sbarrier.arrive $0xFFFF  }
0x299: {  	s9 =	rddreg [dreg:$0x8]  }
0x29a: {  	s18 =	rddreg [dreg:$0x12]  }
0x29b: {  	s8 =	simm.s32 $0x20;
	s21 =	simm.s32 $0x10;
	s12 =	rddreg [dreg:$0x14]  }
0x29c: {  	[hbm:s18@s8], [sflag:s9] =	dma.strided [spmem:s12@s21], $0x50, s2, $0x10   }
0x29d: {  	_ =	swait.ge [sflag:s25], $0x50  }
0x29e: {  	s11 =	sadd.s32 $0x1, s11;
	s22 =	rddreg [dreg:$0x13]  }
0x29f: {  	p1 =	sne.s32 s11, s22  }
.Ltmp3:
0x2a0: {  	_ = 	snop;
	(pc) =	sbr.rel @p1 .LBB2_1-.Ltmp3, $3  }
0x2a1: {  	_ =	sdelay $0x1  }
0x2a2: {  	[sflag:s25] =	ssyncset.done $0x0;
	s15 =	rddreg [dreg:$0x6]  }
0x2a3: {  	s16 =	rddreg [dreg:$0x9];
	[sflag:s25] =	ssyncadd.s32 $0xFFFFFFB0  }
0x2a4: {  	_ =	sfence.sel $0x180000  }
0x2a5: {  	[bflag:$0x0] =	sbarrier.arrive $0xFFFF  }
0x2a6: {  	_ =	strace $0x90000047  }
0x2a7: {  	s0 =	stileid.u32;
	[bflag:$0x2] =	sbarrier.arrive $0xFFFF  }
0x2a8: {  	p0 =	sne.s32 s0, $0x0;
	s0 =	rddreg [dreg:$0x5]  }
0x2a9: {  	s0 =	sadd.s32 @!p0 $0x100000, s0  }
0x2aa: {  	[sflag:s0] =	ssyncadd.tile.s32 @!p0 $0x1;
	_ =	shalt  }
.Lfunc_end2:
_tile_overlayer_lowered:
.L_overlay_start_2:
0x2ab: {  	(tag) =	ssettag $0x2  }
0x2ac: {  	s0 =	rddreg [dreg:$0x0];
	s2 =	stileid.u32  }
0x2ad: {  	s1 =	rddreg [dreg:$0x1];
	p0 =	sne.s32 s2, $0x0  }
0x2ae: {  	s3 =	rddreg [dreg:$0x2];
	[bflag:$0x3] =	sbarrier.arrive $0xFFFF;
	s2 =	simm.s32 @!p0 $0x1C05  }
0x2af: {  	[timem:s3], [sflag:s2] =	dma.local @!p0 [hbm:s0], s1  }
0x2b0: {  	s0 =	simm.s32 @!p0 $0x5  }
0x2b1: {  	_ =	swait.ge @!p0 [sflag:s0], s1  }
0x2b2: {  	s1 =	ssub.s32 @!p0 $0x0, s1;
	[sflag:s0] =	ssyncset.done @!p0 $0x0  }
0x2b3: {  	[sflag:s0] =	ssyncadd.s32 @!p0 s1  }
0x2b4: {  	[bflag:$0x3] =	sbarrier.arrive $0xFFFF  }
0x2b5: {  	_ =	shalt  }

// kernel: kernel.9.cloned.1.call-start
scs
__scs_entry_jumppad:
0x0: {  	(pc) =	sbr.rel $0x88, $3  }
0x1: {  	(tag) =	ssettag $0x0;
	lr =	simm.s32 $0x1  }
0x2: {  	[smem:$0x3F99] =	sst lr;
	_ =	strace $0xD0000000  }
0x3: {  	_ = 	snop  }
0x4: {  	_ = 	snop  }
0x5: {  	_ = 	snop  }
0x6: {  	_ = 	snop  }
0x7: {  	_ = 	snop  }
__scs_overlays_trampoline_lowered:
0x8: {  	[smem:$0x3FA8] =	sst s0  }
0x9: {  	[smem:$0x3FA9] =	sst s1  }
0xa: {  	[smem:$0x3FAA] =	sst s2  }
0xb: {  	[smem:$0x3FAB] =	sst s3  }
0xc: {  	[smem:$0x3FAC] =	sst s4  }
0xd: {  	[smem:$0x3FAD] =	sst s5  }
0xe: {  	[smem:$0x3FAE] =	sst s6  }
0xf: {  	[smem:$0x3FAF] =	sst s7  }
0x10: {  	[smem:$0x3FB0] =	sst s8  }
0x11: {  	[smem:$0x3FB1] =	sst s9;
	s0 =	simm.s32 @!p0 $0x0  }
0x12: {  	s1 =	sld [smem:$0x3F97];
	s0 =	simm.s32 @p0 $0x1  }
0x13: {  	[smem:$0x3FB2] =	sst s0;
	s0 =	simm.s32 @!p1 $0x0  }
0x14: {  	s2 =	sld [smem:$0x3F96];
	s0 =	simm.s32 @p1 $0x1  }
0x15: {  	[smem:$0x3FB3] =	sst s0;
	s0 =	simm.s32 @!p2 $0x0  }
0x16: {  	s3 =	sld [smem:$0x3FDB];
	s0 =	simm.s32 @p2 $0x1  }
0x17: {  	s4 =	simm.s32 $0x1BF5;
	[smem:$0x3FB5] =	sst s0  }
0x18: {  	s0 =	sld [smem:$0x3F98];
	_ =	swait.ge [sflag:s4], $0x0  }
0x19: {  	s7 =	sld [smem:$0x3F99]  }
0x1a: {  	s8 =	sadd.s32 $0xFFFFE003, lr  }
0x1b: {  	s9 =	sadd.s32 $0xFFFFFEF7, lr;
	s5 =	simm.s32 $0xFFFFFFFF;
	p2 =	slt.u32 s8, $0xFFFFF086  }
0x1c: {  	p1 =	slt.u32 s9, $0xF7A;
	s5 =	simm.s32 @!p2 $0x0  }
0x1d: {  	s5 =	simm.s32 @p1 $0x1;
	p0 =	seq.s32 s7, s2  }
0x1e: {  	s7 =	smul.u32 @!p0 $0xF7A, s2;
	p2 =	seq.s32 @!p0 s5, $0x0  }
0x1f: {  	s9 =	smul.u32 $0xF7A, s1;
	s8 =	simm.s32 @!p0 $0x1BF5;
	p2 =	por !p2, p0  }
0x20: {  	[sflag:s8] =	ssyncset.s32 @!p0 $0xFFFFF086;
	s6 =	sadd.s32 @!p0 s3, s7;
	s7 =	simm.s32 @!p0 $0x108  }
0x21: {  	s3 =	sadd.s32 s3, s9;
	s6 =	sadd.s32 @!p0 $0x88, s6;
	s7 =	simm.s32 @p2 $0x1082  }
0x22: {  	[simem:s7], [sflag:s8] =	dma.local @!p0 [hbm:s6], $0xF7A  }
0x23: {  	s9 =	sor.u32 $0xD0000000, s2;
	s6 =	simm.s32 $0x108;
	_ =	swait.ge @!p0 [sflag:s8], $0x0  }
0x24: {  	s3 =	sadd.s32 $0x88, s3;
	s6 =	simm.s32 @!p1 $0x1082;
	[sflag:s4] =	ssyncset.s32 $0xFFFFF086  }
0x25: {  	[simem:s6], [sflag:s4] =	dma.local [hbm:s3], $0xF7A  }
0x26: {  	[smem:$0x3F99] =	sst s1;
	(tag) =	ssettag s2;
	_ =	strace s9  }
0x27: {  	s1 =	sld [smem:$0x3FA9]  }
0x28: {  	s2 =	sld [smem:$0x3FAA]  }
0x29: {  	s4 =	sld [smem:$0x3FAC]  }
0x2a: {  	p0 =	seq.s32 s5, $0x0;
	s5 =	sld [smem:$0x3FAD]  }
0x2b: {  	s6 =	sld [smem:$0x3FAE]  }
0x2c: {  	s7 =	sld [smem:$0x3FAF]  }
0x2d: {  	s3 =	simm.s32 $0x108;
	s8 =	sld [smem:$0x3FB0]  }
0x2e: {  	s3 =	simm.s32 @!p0 $0x1082;
	s9 =	sld [smem:$0x3FB1]  }
0x2f: {  	lr =	sadd.s32 s0, s3;
	s0 =	sld [smem:$0x3FA8]  }
0x30: {  	s3 =	sld [smem:$0x3FAB]  }
0x31: {  	[smem:$0x3FB4] =	sst s10  }
0x32: {  	s10 =	sld [smem:$0x3FB2];
	_ =	sdelay $0x3  }
0x33: {  	p0 =	seq.s32 s10, $0x1;
	s10 =	sld [smem:$0x3FB4];
	_ =	sdelay $0x3  }
0x34: {  	[smem:$0x3FB4] =	sst s10  }
0x35: {  	s10 =	sld [smem:$0x3FB3];
	_ =	sdelay $0x3  }
0x36: {  	p1 =	seq.s32 s10, $0x1;
	s10 =	sld [smem:$0x3FB4];
	_ =	sdelay $0x3  }
0x37: {  	[smem:$0x3FB4] =	sst s10  }
0x38: {  	s10 =	sld [smem:$0x3FB5]  }
0x39: {  	_ = 	snop;
	(pc) =	sbr.ind lr, $3  }
0x3a: {  	_ = 	snop  }
0x3b: {  	_ = 	snop  }
0x3c: {  	p2 =	seq.s32 s10, $0x1;
	s10 =	sld [smem:$0x3FB4]  }
0x3d: {  	_ =	shalt  }
0x3e: {  	_ =	shalt  }
0x3f: {  	_ =	shalt  }
0x40: {  	_ =	shalt  }
0x41: {  	_ =	shalt  }
0x42: {  	_ =	shalt  }
0x43: {  	_ =	shalt  }
0x44: {  	_ =	shalt  }
0x45: {  	_ =	shalt  }
0x46: {  	_ =	shalt  }
0x47: {  	_ =	shalt  }
0x48: {  	_ =	shalt  }
0x49: {  	_ =	shalt  }
0x4a: {  	_ =	shalt  }
0x4b: {  	_ =	shalt  }
0x4c: {  	_ =	shalt  }
0x4d: {  	_ =	shalt  }
0x4e: {  	_ =	shalt  }
0x4f: {  	_ =	shalt  }
0x50: {  	_ =	shalt  }
0x51: {  	_ =	shalt  }
0x52: {  	_ =	shalt  }
0x53: {  	_ =	shalt  }
0x54: {  	_ =	shalt  }
0x55: {  	_ =	shalt  }
0x56: {  	_ =	shalt  }
0x57: {  	_ =	shalt  }
0x58: {  	_ =	shalt  }
0x59: {  	_ =	shalt  }
0x5a: {  	_ =	shalt  }
0x5b: {  	_ =	shalt  }
0x5c: {  	_ =	shalt  }
0x5d: {  	_ =	shalt  }
0x5e: {  	_ =	shalt  }
0x5f: {  	_ =	shalt  }
0x60: {  	_ =	shalt  }
0x61: {  	_ =	shalt  }
0x62: {  	_ =	shalt  }
0x63: {  	_ =	shalt  }
0x64: {  	_ =	shalt  }
0x65: {  	_ =	shalt  }
0x66: {  	_ =	shalt  }
0x67: {  	_ =	shalt  }
0x68: {  	_ =	shalt  }
0x69: {  	_ =	shalt  }
0x6a: {  	_ =	shalt  }
0x6b: {  	_ =	shalt  }
0x6c: {  	_ =	shalt  }
0x6d: {  	_ =	shalt  }
0x6e: {  	_ =	shalt  }
0x6f: {  	_ =	shalt  }
0x70: {  	_ =	shalt  }
0x71: {  	_ =	shalt  }
0x72: {  	_ =	shalt  }
0x73: {  	_ =	shalt  }
0x74: {  	_ =	shalt  }
0x75: {  	_ =	shalt  }
0x76: {  	_ =	shalt  }
0x77: {  	_ =	shalt  }
0x78: {  	_ =	shalt  }
0x79: {  	_ =	shalt  }
0x7a: {  	_ =	shalt  }
0x7b: {  	_ =	shalt  }
0x7c: {  	_ =	shalt  }
0x7d: {  	_ =	shalt  }
0x7e: {  	_ =	shalt  }
0x7f: {  	_ =	shalt  }
0x80: {  	_ =	shalt  }
0x81: {  	_ =	shalt  }
0x82: {  	_ =	shalt  }
0x83: {  	_ =	shalt  }
0x84: {  	_ =	shalt  }
0x85: {  	_ =	shalt  }
0x86: {  	_ =	shalt  }
0x87: {  	_ =	shalt  }
.Lfunc_end0:
.L_simem_size_0:
called_computation.1_lowered:
.L_overlay_start_0:
0x88: {  	s2 =	sld [smem:$0x3FD9]  }
0x89: {  	s3 =	sld [smem:$0x3FFE];
	_ =	sdelay $0x1  }
0x8a: {  	s1 =	srdreg.scid  }
0x8b: {  	s0 =	sand.u32 $0x1, s1  }
0x8c: {  	s16 =	sshll.u32 s0, $0xA;
	s2 =	sadd.s32 s3, s2  }
0x8d: {  	s2 =	sadd.s32 s2, s16  }
0x8e: {  	[smem:$0x3FC0] =	sst s2  }
0x8f: {  	_ = 	snop  }
0x90: {  	(tm) =	ssettm $0x1  }
0x91: {  	s17 =	sld [smem:$0x3FFB];
	_ =	sdelay $0x3  }
0x92: {  	_ =	strace s17  }
0x93: {  	s2 =	sld [smem:$0x3FFC];
	_ =	sdelay $0x3  }
0x94: {  	_ =	strace s2  }
0x95: {  	s2 =	sld [smem:$0x3FFD];
	_ =	sdelay $0x3  }
0x96: {  	_ =	strace s2  }
0x97: {  	_ =	strace $0x8FFFFFFF  }
0x98: {  	s18 =	sld [smem:$0x3FDB];
	_ =	sdelay $0x1  }
0x99: {  	s19 =	simm.s32 $_scs_section_size  }
0x9a: {  	s4 =	simm.s32 $_size__tile_overlayer_lowered;
	s5 =	simm.s32 $_tile_overlayer_lowered  }
0x9b: {  	s22 =	simm.s32 $0x1BFF;
	s21 =	sshll.u32 s5, $0x1;
	s2 =	sadd.s32 s19, s18  }
0x9c: {  	s6 =	simm.s32 $0x0;
	s20 =	sshll.u32 s4, $0x1;
	s4 =	sadd.s32 s21, s2  }
0x9d: {  	[timem:s6], [sflag:s22] =	dma.local [hbm:s4], s20  }
0x9e: {  	_ =	swait.ge [sflag:s22], s20  }
0x9f: {  	s3 =	ssub.s32 $0x0, s20;
	[sflag:s22] =	ssyncset.done $0x0  }
0xa0: {  	[sflag:s22] =	ssyncadd.s32 s3;
	_ =	sdelay $0x1  }
0xa1: {  	s23 =	simm.s32 $0x1B8B  }
0xa2: {  	_ =	swait.ge [sflag:s23], $0x1  }
0xa3: {  	[sflag:s23] =	ssyncset.done $0x0  }
0xa4: {  	s25 =	simm.s32 $0x1B8E;
	s24 =	sld [smem:$0x3FFE];
	[sflag:s23] =	ssyncadd.s32 $0xFFFFFFFF  }
0xa5: {  	s26 =	simm.s32 $execute0_lowered;
	[smem:$0x3FD2] =	sst s25  }
0xa6: {  	s4 =	sshll.u32 s26, $0x1;
	_ =	strace $0x80000049;
	[dreg:$0x1] =	wrdreg $0xFFFFFFFF  }
0xa7: {  	s28 =	simm.s32 $_size_execute0_lowered;
	s2 =	sadd.s32 s2, s4;
	[dreg:$0x0] =	wrdreg $0x0  }
0xa8: {  	s4 =	sshll.u32 s28, $0x1;
	[dreg:$0x2] =	wrdreg s2  }
0xa9: {  	[dreg:$0x3] =	wrdreg s4  }
0xaa: {  	[dreg:$0x4] =	wrdreg $0xC0  }
0xab: {  	_ =	task [dreg:s6], $0x5FFFF  }
0xac: {  	[dreg:$0x1] =	wrdreg $0xFFFFFFFF  }
0xad: {  	[dreg:$0x0] =	wrdreg $0x60  }
0xae: {  	[dreg:$0x2] =	wrdreg s24  }
0xaf: {  	[dreg:$0x3] =	wrdreg $0x0  }
0xb0: {  	[dreg:$0x4] =	wrdreg $0x9  }
0xb1: {  	_ =	task.clear_ibuf [dreg:s6], $0x5FFFF;
	_ =	strace $0x90000049  }
0xb2: {  	s29 =	simm.s32 $0x9;
	_ =	strace $0x8000004B  }
0xb3: {  	_ =	swait.ge [sflag:s29], $0x1  }
0xb4: {  	[sflag:s29] =	ssyncadd.s32 $0xFFFFFFFF  }
0xb5: {  	_ =	strace $0x9000004B  }
0xb6: {  	_ =	sfence  }
0xb7: {  	s30 =	sld [smem:$0x0];
	_ =	sdelay $0x2  }
0xb8: {  	s31 =	sshll.u32 s1, $0xD;
	s1 =	sshrl.u32 s1, $0x2  }
0xb9: {  	s3 =	sand.u32 $0x4000, s31;
	s1 =	sadd.s32 s1, s30  }
0xba: {  	s0 =	sor.u32 s3, s0;
	s1 =	sshll.u32 s1, $0x11  }
0xbb: {  	s0 =	sor.u32 s1, s0  }
0xbc: {  	s0 =	sadd.s32 $0x8F2B, s0  }
0xbd: {  	[sflag:s0] =	ssyncadd.remote.s32 $0x1  }
0xbe: {  	_ =	sfence.sel $0xFFFF  }
0xbf: {  	[dreg:$0x0] =	wrdreg $0xFFFFFFFF;
	(pc) =	sbr.abs _section_cstart, $3  }
0xc0: {  	[dreg:$0x1] =	wrdreg $0xFFFFFFFF  }
0xc1: {  	_ =	task.clear_ibuf [dreg:s6], $0x2FFFF;
	_ =	strace $0x9FFFFFFF  }
0xc2: {  	(tm) =	ssettm $0x7FFFFFFF  }
0xc3: {  	_ =	shalt  }
tec
execute0_lowered:
.L_overlay_start_1:
0x0: {  	(tag) =	ssettag $0x1  }
0x1: {  	s4 =	rddreg [dreg:$0x0]  }
0x2: {  	s0 =	srdreg.scid;
	s2 =	rddreg [dreg:$0x1]  }
0x3: {  	s1 =	stileid.u32;
	s3 =	simm.s32 $0x0;
	s14 =	simm.s32 $0xF000  }
0x4: {  	s15 =	simm.s32 $0x80;
	s16 =	simm.s32 $0x14000;
	s17 =	simm.s32 $0xA080  }
0x5: {  	s18 =	simm.s32 $0x16000;
	s19 =	simm.s32 $0x1;
	s20 =	simm.s32 $0x2  }
0x6: {  	s21 =	simm.s32 $0x3;
	s22 =	simm.s32 $0x4;
	s23 =	simm.s32 $0x0  }
0x7: {  	s5 =	sand.u32 $0x1, s0;
	s0 =	rddreg [dreg:$0x2];
	s7 =	smul.u32 $0xA00, s1  }
0x8: {  	[smem:$0x7FF] =	sst s3;
	s9 =	smul.u32 $0xA000, s1;
	s31 =	sshll.u32 s1, $0x6  }
0x9: {  	s6 =	smul.u32 $0xA0000, s5;
	_ =	strace $0x8000004A;
	s5 =	ssub.s32 $0x2, s5  }
0xa: {  	s7 =	sadd.s32 s7, s4;
	s10 =	sshrl.u32 s9, $0x3;
	s11 =	sshrl.u32 s5, $0x1  }
0xb: {  	s13 =	sadd.s32 s9, s2;
	s8 =	sshrl.u32 s6, $0x3;
	s6 =	sadd.s32 s9, s6  }
0xc: {  	s10 =	sadd.s32 s10, s4;
	s11 =	ssub.s32 s5, s11;
	s6 =	sshrl.u32 s6, $0x3  }
0xd: {  	s5 =	sor.u32 $0x1C05, s31;
	s8 =	sadd.s32 s8, s4;
	s12 =	sadd.s32 s6, s4  }
0xe: {  	s4 =	sadd.s32 $0x15A00, s10;
	s6 =	sadd.s32 $0xBA00, s7;
	s7 =	sadd.s32 $0x1A00, s7  }
0xf: {  	s8 =	sadd.s32 $0x65A00, s8;
	s10 =	smax.u32 s11, $0x1;
	s11 =	sshrl.u32 s13, $0x3  }
0x10: {  	s13 =	simm.s32 $0xA000;
	s9 =	sadd.s32 $0x29A00, s12;
	s12 =	simm.s32 $0x5  }
.LBB2_1:
0x11: {  	[spmem:s11], [sflag:s5] =	dma.local [hbm:s4], $0x1400  }
0x12: {  	_ =	swait.ge [sflag:s12], $0x1400  }
0x13: {  	[sflag:s12] =	ssyncset.done $0x0  }
0x14: {  	[sflag:s12] =	ssyncadd.s32 $0xFFFFEC00  }
0x15: {  	[tilespmem:s13], [sflag:$0x5] =	stream.linear.gather [hbm4b:s6+s3], $0x5000, $0x38;
	[tilespmem:$0x18000] =	vst v63  }
0x16: {  	_ =	swait.ge [sflag:s12], $0x5000  }
0x17: {  	[sflag:s12] =	ssyncset.done $0x0  }
0x18: {  	[sflag:s12] =	ssyncadd.s32 $0xFFFFB000  }
0x19: {  	[tilespmem:s14], [sflag:$0x5] =	stream.linear.gather [hbm4b:s7+s3], $0x5000, $0x38;
	[tilespmem:$0x18000] =	vst v63  }
0x1a: {  	_ =	swait.ge [sflag:s12], $0x5000  }
0x1b: {  	[sflag:s12] =	ssyncset.done $0x0  }
0x1c: {  	[sflag:s12] =	ssyncadd.s32 $0xFFFFB000  }
0x1d: {  	[bflag:$0x0] =	sbarrier.arrive $0xFFFF  }
0x1e: {  	[tilespmem:s16], [sflag:$0x1] =	stream.indirect.gather [hbm4b:s8+s15], $0x40, s13, s15, $0xb8;
	[tilespmem:$0x18000] =	vst v63  }
0x1f: {  	_ = 	snop  }
0x20: {  	[tilespmem:s18], [sflag:$0x2] =	stream.indirect.gather [hbm4b:s8+s15], $0x40, s17, s15, $0xb8;
	[tilespmem:$0x18000] =	vst v63  }
0x21: {  	_ =	swait.ge [sflag:s19], $0x2000  }
0x22: {  	[sflag:s19] =	ssyncset.done $0x0  }
0x23: {  	s24 =	simm.s32 $0xF000;
	[sflag:s19] =	ssyncadd.s32 $0xFFFFE000  }
0x24: {  	[spmem:s2] =	stream.indirect.scatter.add.f32 [tilespmem:s16], [sflag:$0x3], $0x40, s24, s15, $0xb8;
	[tilespmem:$0x18000] =	vst v63  }
0x25: {  	_ =	swait.ge [sflag:s20], $0x2000  }
0x26: {  	[sflag:s20] =	ssyncset.done $0x0  }
0x27: {  	s30 =	simm.s32 $0xF080;
	[sflag:s20] =	ssyncadd.s32 $0xFFFFE000  }
0x28: {  	[spmem:s2] =	stream.indirect.scatter.add.f32 [tilespmem:s18], [sflag:$0x4], $0x40, s30, s15, $0xb8;
	[tilespmem:$0x18000] =	vst v63  }
0x29: {  	s31 =	smin.u32 s3, $0x9C;
	_ =	swait.ge [sflag:s21], $0x2000  }
0x2a: {  	s25 =	sshll.u32 s31, $0x7;
	[sflag:s21] =	ssyncset.done $0x0  }
0x2b: {  	s24 =	sadd.s32 $0xA100, s25;
	[sflag:s21] =	ssyncadd.s32 $0xFFFFE000  }
0x2c: {  	[tilespmem:s16], [sflag:$0x1] =	stream.indirect.gather [hbm4b:s8+s15], $0x40, s24, s15, $0xb8;
	[tilespmem:$0x18000] =	vst v63  }
0x2d: {  	_ =	swait.ge [sflag:s22], $0x2000  }
0x2e: {  	s26 =	sadd.s32 $0xA180, s25;
	[sflag:s22] =	ssyncset.done $0x0  }
0x2f: {  	s25 =	simm.s32 $0xF180;
	s24 =	simm.s32 $0x2;
	[sflag:s22] =	ssyncadd.s32 $0xFFFFE000  }
.LBB2_2:
0x30: {  	[tilespmem:s18], [sflag:$0x2] =	stream.indirect.gather [hbm4b:s8+s15], $0x40, s26, s15, $0xb8;
	[tilespmem:$0x18000] =	vst v63  }
0x31: {  	s26 =	smov.u32 s24  }
0x32: {  	p0 =	sne.s32 s24, $0x9E;
	s24 =	sadd.s32 $0x2, s24;
	_ =	swait.ge [sflag:s19], $0x2000  }
0x33: {  	[sflag:s19] =	ssyncset.done $0x0  }
0x34: {  	s28 =	sadd.s32 $0xFFFFFF80, s25;
	[sflag:s19] =	ssyncadd.s32 $0xFFFFE000  }
0x35: {  	[spmem:s2] =	stream.indirect.scatter.add.f32 [tilespmem:s16], [sflag:$0x3], $0x40, s28, s15, $0xb8;
	[tilespmem:$0x18000] =	vst v63  }
0x36: {  	_ =	swait.ge [sflag:s20], $0x2000  }
0x37: {  	[sflag:s20] =	ssyncset.done $0x0  }
0x38: {  	[sflag:s20] =	ssyncadd.s32 $0xFFFFE000  }
0x39: {  	[spmem:s2] =	stream.indirect.scatter.add.f32 [tilespmem:s18], [sflag:$0x4], $0x40, s25, s15, $0xb8;
	[tilespmem:$0x18000] =	vst v63  }
0x3a: {  	s26 =	smin.u32 s26, $0x9C;
	_ =	swait.ge [sflag:s21], $0x2000  }
0x3b: {  	s26 =	sshll.u32 s26, $0x7;
	[sflag:s21] =	ssyncset.done $0x0  }
.Ltmp0:
0x3c: {  	s28 =	sadd.s32 $0xA100, s26;
	[sflag:s21] =	ssyncadd.s32 $0xFFFFE000;
	(pc) =	sbr.rel @p0 .LBB2_2-.Ltmp0, $4  }
0x3d: {  	[tilespmem:s16], [sflag:$0x1] =	stream.indirect.gather [hbm4b:s8+s15], $0x40, s28, s15, $0xb8;
	[tilespmem:$0x18000] =	vst v63  }
0x3e: {  	_ =	swait.ge [sflag:s22], $0x2000  }
0x3f: {  	[sflag:s22] =	ssyncset.done $0x0  }
0x40: {  	s26 =	sadd.s32 $0xA180, s26;
	s25 =	sadd.s32 $0x100, s25;
	[sflag:s22] =	ssyncadd.s32 $0xFFFFE000  }
0x41: {  	[tilespmem:s18], [sflag:$0x2] =	stream.indirect.gather [hbm4b:s8+s15], $0x40, s26, s15, $0xb8;
	[tilespmem:$0x18000] =	vst v63  }
0x42: {  	_ =	swait.ge [sflag:s19], $0x2000  }
0x43: {  	[sflag:s19] =	ssyncset.done $0x0  }
0x44: {  	[sflag:s19] =	ssyncadd.s32 $0xFFFFE000  }
0x45: {  	_ =	swait.ge [sflag:s20], $0x2000  }
0x46: {  	s23 =	sadd.s32 $0x1, s23;
	[sflag:s20] =	ssyncset.done $0x0  }
0x47: {  	p0 =	sne.s32 s23, s10;
	[sflag:s20] =	ssyncadd.s32 $0xFFFFE000  }
.Ltmp1:
0x48: {  	[bflag:$0x0] =	sbarrier.arrive $0xFFFF;
	(pc) =	sbr.rel @p0 .LBB2_1-.Ltmp1, $4  }
0x49: {  	[hbm:s9], [sflag:s5] =	dma.local [spmem:s11], $0x1400  }
0x4a: {  	_ =	swait.ge [sflag:s12], $0x1400  }
0x4b: {  	[sflag:s12] =	ssyncset.done $0x0  }
0x4c: {  	[sflag:s12] =	ssyncadd.s32 $0xFFFFEC00  }
0x4d: {  	_ =	sfence.sel $0x180000  }
0x4e: {  	[bflag:$0x0] =	sbarrier.arrive $0xFFFF  }
0x4f: {  	p0 =	sne.s32 s1, $0x0;
	_ =	strace $0x9000004A  }
0x50: {  	s0 =	sadd.s32 @!p0 $0x100000, s0;
	[bflag:$0x2] =	sbarrier.arrive $0xFFFF  }
0x51: {  	[sflag:s0] =	ssyncadd.tile.s32 @!p0 $0x1;
	_ =	shalt  }
.Lfunc_end2:
_tile_overlayer_lowered:
.L_overlay_start_2:
0x52: {  	(tag) =	ssettag $0x2  }
0x53: {  	s0 =	rddreg [dreg:$0x0];
	s2 =	stileid.u32  }
0x54: {  	s1 =	rddreg [dreg:$0x1];
	p0 =	sne.s32 s2, $0x0  }
0x55: {  	s3 =	rddreg [dreg:$0x2];
	[bflag:$0x3] =	sbarrier.arrive $0xFFFF;
	s2 =	simm.s32 @!p0 $0x1C05  }
0x56: {  	[timem:s3], [sflag:s2] =	dma.local @!p0 [hbm:s0], s1  }
0x57: {  	s0 =	simm.s32 @!p0 $0x5  }
0x58: {  	_ =	swait.ge @!p0 [sflag:s0], s1  }
0x59: {  	s1 =	ssub.s32 @!p0 $0x0, s1;
	[sflag:s0] =	ssyncset.done @!p0 $0x0  }
0x5a: {  	[sflag:s0] =	ssyncadd.s32 @!p0 s1  }
0x5b: {  	[bflag:$0x3] =	sbarrier.arrive $0xFFFF  }
0x5c: {  	_ =	shalt  }

</sc_bundles>
